<compile_context>
chip_gen: v7x
topology: tpu7x:2x2x1
jax: 0.10.2.dev20260603
libtpu: 0.0.44.dev20260713+nightly
codegen_flags: <defaults>
</compile_context>

<pallas_src>
import functools

import jax
import jax.numpy as jnp
from jax import lax
from jax.experimental import pallas as pl
from jax.experimental.pallas import tpu as pltpu
from jax.experimental.pallas import tpu_sc as plsc

L = 16
NC = 2
NS = 16

FIX_CAP = 256
FIXCH = 32


def _take16(x, idx):
    dnums = lax.GatherDimensionNumbers(
        offset_dims=(), collapsed_slice_dims=(0,), start_index_map=(0,))
    return lax.gather(x, idx[:, None], dnums, slice_sizes=(1,),
                      mode=lax.GatherScatterMode.PROMISE_IN_BOUNDS)


def _build(n_nodes, batch, dim):
    nr = -(-n_nodes // NS)
    nr_pad = -(-nr // (4 * L)) * (4 * L)
    half = batch // NC
    rpt = half // NS
    mesh = plsc.VectorSubcoreMesh(core_axis_name="c", subcore_axis_name="s")

    @functools.partial(
        pl.kernel,
        out_type=jax.ShapeDtypeStruct((batch, dim), jnp.float32),
        mesh=mesh,
        compiler_params=pltpu.CompilerParams(needs_layout_passes=False),
        scratch_types=[
            pltpu.VMEM((batch + 2 * L,), jnp.int32),
            pltpu.VMEM((nr_pad,), jnp.int32),
            pltpu.VMEM((FIX_CAP + L,), jnp.int32),
            pltpu.VMEM((FIX_CAP + L,), jnp.int32),
            pltpu.VMEM((FIX_CAP // FIXCH, FIXCH), jnp.int32),
            pltpu.VMEM((FIXCH, dim), jnp.float32),
            pltpu.VMEM((2, 128, dim), jnp.float32),
            pltpu.SemaphoreType.DMA,
            pltpu.SemaphoreType.DMA,
            pltpu.SemaphoreType.DMA,
            pltpu.SemaphoreType.DMA,
            pltpu.SemaphoreType.DMA,
            pltpu.SemaphoreType.DMA,
        ],
    )
    def sc_kernel(idx_hbm, values_hbm, out_hbm,
                  idx_v, table_v, fix_k, fix_w, fix_k2,
                  rows_v, stage_v, sem, semi0, semi1,
                  semo0, semo1, sem3):
        c = lax.axis_index("c")
        s = lax.axis_index("s")
        base = s * nr
        half_lo = c * half
        lane = lax.iota(jnp.int32, L)
        zero16 = jnp.zeros((L,), jnp.int32)
        nxt_perm = jnp.minimum(lane + 1, L - 1)

        k_lo = half_lo + s * rpt

        def c1_in(i, b, s_):
            return pltpu.async_copy(
                values_hbm.at[pl.ds(k_lo + i * 128, 128)], stage_v.at[b], s_)

        copy_idx = pltpu.async_copy(idx_hbm, idx_v.at[pl.ds(0, batch)], sem)
        ncc = rpt // 128
        c1_ins = [c1_in(0, 0, semi0), c1_in(1, 1, semi1)]

        copy_idx.wait()

        def sort_stage(t):
            v_idx = idx_v[pl.ds(t * L, L)]
            skey, _ = plsc.sort_key_val((v_idx << 4) | lane, lane)
            id_s = skey >> 4
            j_vec = t * L + (skey & (L - 1))
            nxt = _take16(skey, nxt_perm)
            last_run = (id_s != (nxt >> 4)) | (lane == L - 1)
            off = id_s - base
            in_range = (off >= 0) & (off < nr)
            offc = jnp.clip(off, 0, nr - 1)
            return offc, j_vec, last_run & in_range

        def pass_a1(i, carry):
            st_a, st_b = carry
            nxt_a = sort_stage(2 * i + 2)
            offc, j_vec, do_st = st_a
            plsc.store_scatter(table_v, [offc], j_vec + 1, mask=do_st)
            nxt_b = sort_stage(2 * i + 3)
            offc, j_vec, do_st = st_b
            plsc.store_scatter(table_v, [offc], j_vec + 1, mask=do_st)
            return nxt_a, nxt_b

        lax.fori_loop(0, batch // (2 * L), pass_a1,
                      (sort_stage(0), sort_stage(1)))

        t0 = c * (half // L)

        def load_stage(t):
            v_idx = idx_v[pl.ds(t * L, L)]
            off = v_idx - base
            in_range = (off >= 0) & (off < nr)
            offc = jnp.clip(off, 0, nr - 1)
            return plsc.load_gather(table_v, [offc]), in_range, t * L + lane

        def pass_a2(i, carry):
            m, w1, in_range, j_vec = carry
            nxt_st = load_stage(t0 + i + 1)
            wv = w1 - 1
            has_loser = in_range & (wv != j_vec)
            plsc.store_compressed(fix_k.at[pl.ds(m, L)], j_vec,
                                  mask=has_loser)
            plsc.store_compressed(fix_w.at[pl.ds(m, L)], wv,
                                  mask=has_loser)
            m = m + plsc.all_reduce_population_count(has_loser)[0]
            return (m,) + nxt_st

        m = lax.fori_loop(0, half // L, pass_a2,
                          (jnp.int32(0),) + load_stage(t0))[0]

        def pass_b(i, carry):
            k0, w0 = carry
            kv = fix_k[pl.ds(i * L, L)]
            wv = fix_w[pl.ds(i * L, L)]
            if_0 = i == 0
            k0 = jnp.where(if_0, _take16(kv, zero16), k0)
            w0 = jnp.where(if_0, _take16(wv, zero16), w0)
            valid = (i * L + lane) < m
            kv = jnp.where(valid, kv, k0)
            wv = jnp.clip(jnp.where(valid, wv, w0), 0, batch - 1)
            fix_w[pl.ds(i * L, L)] = wv
            r = i // (FIXCH // L)
            fix_k2.at[r][pl.ds((i % (FIXCH // L)) * L, L)] = kv
            return (k0, w0)
        lax.fori_loop(0, FIX_CAP // L, pass_b, (zero16, zero16))

        g2 = pltpu.async_copy(values_hbm.at[fix_w.at[pl.ds(0, FIXCH)]],
                              rows_v, sem3)

        for p in range(ncc // 2):
            a = 2 * p
            c1_ins[0].wait()
            out_a = pltpu.async_copy(
                stage_v.at[0], out_hbm.at[pl.ds(k_lo + a * 128, 128)], semo0)
            c1_ins[1].wait()
            out_b = pltpu.async_copy(
                stage_v.at[1],
                out_hbm.at[pl.ds(k_lo + (a + 1) * 128, 128)], semo1)
            out_a.wait()
            out_b.wait()
            if p + 1 < ncc // 2:
                c1_ins = [c1_in(a + 2, 0, semi0), c1_in(a + 3, 1, semi1)]
        g2.wait()
        plsc.subcore_barrier()

        @pl.when(m > 0)
        def _():
            pltpu.async_copy(rows_v, out_hbm.at[fix_k2.at[0]], sem).wait()

        def pass_c(ci, _):
            @pl.when(ci * FIXCH < m)
            def _():
                w_view = fix_w.at[pl.ds(ci * FIXCH, FIXCH)]
                pltpu.async_copy(values_hbm.at[w_view], rows_v, sem).wait()
                pltpu.async_copy(rows_v, out_hbm.at[fix_k2.at[ci]], sem).wait()
            return 0
        lax.fori_loop(1, FIX_CAP // FIXCH, pass_c, 0)

    return sc_kernel


def kernel(memory, node_idxs, values):
    n_nodes, dim = memory.shape
    batch = node_idxs.shape[0]
    sc_kernel = _build(n_nodes, batch, dim)
    return sc_kernel(node_idxs.astype(jnp.int32), values)

# --- scband reference (transcript-rebuilt; emitter-appended) ---
"""Pipeline reference for scband-memory-80049600463359 (READ-ONLY COPY).

The authoritative reference and input builder live on the scoring server;
editing this copy changes nothing except your own understanding.
"""

import jax, jax.numpy as jnp
import numpy as np

N_NODES = 1000000
MEM_DIM = 128
BATCH = 16384


def setup_inputs(seed: int = 0) -> dict:
    key = jax.random.key(seed)
    k1, k2 = jax.random.split(key, 2)
    # Memory state is initialized to zeros per Memory.__init_memory__
    memory = jnp.zeros((N_NODES, MEM_DIM), dtype=jnp.float32)
    node_idxs = jax.random.randint(k1, (BATCH,), 0, N_NODES, dtype=jnp.int64 if jax.config.jax_enable_x64 else jnp.int32)
    values = jax.random.normal(k2, (BATCH, MEM_DIM), dtype=jnp.float32)
    return {"memory": memory, "node_idxs": node_idxs, "values": values}


def reference(memory, node_idxs, values):
    # Faithful translation of Memory.set_memory followed by Memory.get_memory:
    #   set_memory: self.memory[node_idxs, :] = values.detach()  -> scatter-overwrite
    #   get_memory: return self.memory[node_idxs, :]             -> gather
    new_memory = memory.at[node_idxs].set(values)
    out = jnp.take(new_memory, node_idxs, axis=0)
    return out

if __name__ == "__main__":
    import jax
    _d = setup_inputs()
    print(jax.jit(kernel)(*tuple(_d.values())))

</pallas_src>

<mosaic_0001>
#map = affine_map<(d0, d1) -> (0)>
#map1 = affine_map<(d0, d1) -> (0, 0)>
module attributes {stable_mosaic.version = 14 : i64} {
  func.func @sc_kernel(%arg0: i32, %arg1: i32, %arg2: memref<16384xi32, #tpu.memory_space<hbm>>, %arg3: memref<16384x128xf32, #tpu.memory_space<hbm>>, %arg4: memref<16384x128xf32, #tpu.memory_space<hbm>>, %arg5: memref<16416xi32, #tpu.memory_space<vmem>>, %arg6: memref<62528xi32, #tpu.memory_space<vmem>>, %arg7: memref<272xi32, #tpu.memory_space<vmem>>, %arg8: memref<272xi32, #tpu.memory_space<vmem>>, %arg9: memref<8x32xi32, #tpu.memory_space<vmem>>, %arg10: memref<32x128xf32, #tpu.memory_space<vmem>>, %arg11: memref<2x128x128xf32, #tpu.memory_space<vmem>>, %arg12: memref<!tpu.dma_semaphore, #tpu.memory_space<semaphore_mem>>, %arg13: memref<!tpu.dma_semaphore, #tpu.memory_space<semaphore_mem>>, %arg14: memref<!tpu.dma_semaphore, #tpu.memory_space<semaphore_mem>>, %arg15: memref<!tpu.dma_semaphore, #tpu.memory_space<semaphore_mem>>, %arg16: memref<!tpu.dma_semaphore, #tpu.memory_space<semaphore_mem>>, %arg17: memref<!tpu.dma_semaphore, #tpu.memory_space<semaphore_mem>>) attributes {dimension_semantics = [#tpu.dimension_semantics<core_parallel>, #tpu.dimension_semantics<subcore_parallel>], iteration_bounds = array<i64: 2, 16>, scalar_prefetch = 0 : i64, scratch_operands = 13 : i64, tpu.core_type = #tpu.core_type<sc_vector_subcore>, window_params = [{transform_indices = #map}, {transform_indices = #map1}, {transform_indices = #map1}]} {
    %mul3A = arith.constant 62500 : i32
    %mul3A_0 = arith.muli %arg1, %mul3A : i32
    %mul3A_1 = arith.constant 8192 : i32
    %mul3A_2 = arith.muli %arg0, %mul3A_1 : i32
    %iota3A = tpu.iota {dimensions = array<i32: 0>} : vector<16xi32>
    %broadcast_in_dim3A = arith.constant 0 : i32
    %broadcast_in_dim3A_3 = vector.broadcast %broadcast_in_dim3A : i32 to vector<16xi32>
    %add3A = arith.constant 1 : i32
    %add3A_4 = vector.broadcast %add3A : i32 to vector<16xi32>
    %add3A_5 = arith.addi %iota3A, %add3A_4 : vector<16xi32>
    %min3A = arith.constant 15 : i32
    %min3A_6 = vector.broadcast %min3A : i32 to vector<16xi32>
    %min3A_7 = arith.minsi %add3A_5, %min3A_6 : vector<16xi32>
    %mul3A_8 = arith.constant 512 : i32
    %mul3A_9 = arith.muli %arg1, %mul3A_8 : i32
    %add3A_10 = arith.addi %mul3A_2, %mul3A_9 : i32
    %dma_start3A = arith.constant 0 : i32
    %dma_start3A_11 = tpu.memref_slice %arg5[%dma_start3A] : memref<16416xi32, #tpu.memory_space<vmem>> -> memref<16384xi32, #tpu.memory_space<vmem>>
    %dma_start3A_12 = arith.constant 0 : i32
    %dma_start3A_13 = tpu.memref_slice %arg5[%dma_start3A_12] : memref<16416xi32, #tpu.memory_space<vmem>> -> memref<16384xi32, #tpu.memory_space<vmem>>
    tpu.enqueue_dma source(%arg2 : memref<16384xi32, #tpu.memory_space<hbm>>) target(%dma_start3A_13 : memref<16384xi32, #tpu.memory_space<vmem>>) target_semaphore(%arg12 : memref<!tpu.dma_semaphore, #tpu.memory_space<semaphore_mem>>)
    %add3A_14 = arith.constant 0 : i32
    %add3A_15 = arith.addi %add3A_10, %add3A_14 : i32
    %dma_start3A_16 = arith.constant 0 : i32
    %dma_start3A_17 = arith.constant 0 : i32
    %dma_start3A_18 = arith.constant 0 : i32
    %dma_start3A_19 = tpu.memref_slice %arg11[%dma_start3A_16, %dma_start3A_17, %dma_start3A_18] : memref<2x128x128xf32, #tpu.memory_space<vmem>> -> memref<1x128x128xf32, #tpu.memory_space<vmem>>
    %dma_start3A_20 = tpu.memref_squeeze %dma_start3A_19 : memref<1x128x128xf32, #tpu.memory_space<vmem>> -> memref<128x128xf32, #tpu.memory_space<vmem>>
    %dma_start3A_21 = arith.constant 0 : i32
    %dma_start3A_22 = tpu.memref_slice %arg3[%add3A_15, %dma_start3A_21] : memref<16384x128xf32, #tpu.memory_space<hbm>> -> memref<128x128xf32, #tpu.memory_space<hbm>>
    %dma_start3A_23 = arith.constant 0 : i32
    %dma_start3A_24 = arith.constant 0 : i32
    %dma_start3A_25 = tpu.memref_slice %arg11[%dma_start3A_16, %dma_start3A_23, %dma_start3A_24] : memref<2x128x128xf32, #tpu.memory_space<vmem>> -> memref<1x128x128xf32, #tpu.memory_space<vmem>>
    %dma_start3A_26 = tpu.memref_squeeze %dma_start3A_25 : memref<1x128x128xf32, #tpu.memory_space<vmem>> -> memref<128x128xf32, #tpu.memory_space<vmem>>
    %dma_start3A_27 = arith.constant 0 : i32
    %dma_start3A_28 = tpu.memref_slice %arg3[%add3A_15, %dma_start3A_27] : memref<16384x128xf32, #tpu.memory_space<hbm>> -> memref<128x128xf32, #tpu.memory_space<hbm>>
    tpu.enqueue_dma source(%dma_start3A_28 : memref<128x128xf32, #tpu.memory_space<hbm>>) target(%dma_start3A_26 : memref<128x128xf32, #tpu.memory_space<vmem>>) target_semaphore(%arg13 : memref<!tpu.dma_semaphore, #tpu.memory_space<semaphore_mem>>)
    %add3A_29 = arith.constant 128 : i32
    %add3A_30 = arith.addi %add3A_10, %add3A_29 : i32
    %dma_start3A_31 = arith.constant 1 : i32
    %dma_start3A_32 = arith.constant 0 : i32
    %dma_start3A_33 = arith.constant 0 : i32
    %dma_start3A_34 = tpu.memref_slice %arg11[%dma_start3A_31, %dma_start3A_32, %dma_start3A_33] : memref<2x128x128xf32, #tpu.memory_space<vmem>> -> memref<1x128x128xf32, #tpu.memory_space<vmem>>
    %dma_start3A_35 = tpu.memref_squeeze %dma_start3A_34 : memref<1x128x128xf32, #tpu.memory_space<vmem>> -> memref<128x128xf32, #tpu.memory_space<vmem>>
    %dma_start3A_36 = arith.constant 0 : i32
    %dma_start3A_37 = tpu.memref_slice %arg3[%add3A_30, %dma_start3A_36] : memref<16384x128xf32, #tpu.memory_space<hbm>> -> memref<128x128xf32, #tpu.memory_space<hbm>>
    %dma_start3A_38 = arith.constant 0 : i32
    %dma_start3A_39 = arith.constant 0 : i32
    %dma_start3A_40 = tpu.memref_slice %arg11[%dma_start3A_31, %dma_start3A_38, %dma_start3A_39] : memref<2x128x128xf32, #tpu.memory_space<vmem>> -> memref<1x128x128xf32, #tpu.memory_space<vmem>>
    %dma_start3A_41 = tpu.memref_squeeze %dma_start3A_40 : memref<1x128x128xf32, #tpu.memory_space<vmem>> -> memref<128x128xf32, #tpu.memory_space<vmem>>
    %dma_start3A_42 = arith.constant 0 : i32
    %dma_start3A_43 = tpu.memref_slice %arg3[%add3A_30, %dma_start3A_42] : memref<16384x128xf32, #tpu.memory_space<hbm>> -> memref<128x128xf32, #tpu.memory_space<hbm>>
    tpu.enqueue_dma source(%dma_start3A_43 : memref<128x128xf32, #tpu.memory_space<hbm>>) target(%dma_start3A_41 : memref<128x128xf32, #tpu.memory_space<vmem>>) target_semaphore(%arg14 : memref<!tpu.dma_semaphore, #tpu.memory_space<semaphore_mem>>)
    %dma_wait3A = arith.constant 0 : i32
    %dma_wait3A_44 = tpu.memref_slice %arg5[%dma_wait3A] : memref<16416xi32, #tpu.memory_space<vmem>> -> memref<16384xi32, #tpu.memory_space<vmem>>
    %dma_wait3A_45 = arith.constant 0 : i32
    %dma_wait3A_46 = tpu.memref_slice %arg5[%dma_wait3A_45] : memref<16416xi32, #tpu.memory_space<vmem>> -> memref<16384xi32, #tpu.memory_space<vmem>>
    tpu.wait_dma2 semaphore(%arg12 : memref<!tpu.dma_semaphore, #tpu.memory_space<semaphore_mem>>) src(%arg2 : memref<16384xi32, #tpu.memory_space<hbm>>) dst(%dma_wait3A_46 : memref<16384xi32, #tpu.memory_space<vmem>>)
    %get3A = arith.constant 0 : index
    %get3A_47 = tpu.vector_load %arg5[%get3A] {strides = array<i32>} : memref<16416xi32, #tpu.memory_space<vmem>>, vector<16xi32>,
    %shift_left3A = arith.constant 4 : i32
    %shift_left3A_48 = vector.broadcast %shift_left3A : i32 to vector<16xi32>
    %shift_left3A_49 = arith.shli %get3A_47, %shift_left3A_48 : vector<16xi32>
    %or3A = arith.ori %shift_left3A_49, %iota3A : vector<16xi32>
    %masked_sort3A = arith.constant dense<true> : vector<16xi1>
    %masked_sort3A_50 = arith.constant -2147483648 : i32
    %masked_sort3A_51 = vector.broadcast %masked_sort3A_50 : i32 to vector<16xi32>
    %masked_sort3A_52 = arith.xori %or3A, %masked_sort3A_51 : vector<16xi32>
    %masked_sort3A_53, %masked_sort3A_54, %masked_sort3A_55 = tpu.sort %masked_sort3A_52, %iota3A masked %masked_sort3A : (vector<16xi32>, vector<16xi32>, vector<16xi1>) -> (vector<16xi1>, vector<16xi32>, vector<16xi32>)
    %masked_sort3A_56 = arith.xori %masked_sort3A_54, %masked_sort3A_51 : vector<16xi32>
    %shift_right_arithmetic3A = arith.constant 4 : i32
    %shift_right_arithmetic3A_57 = vector.broadcast %shift_right_arithmetic3A : i32 to vector<16xi32>
    %shift_right_arithmetic3A_58 = arith.shrsi %masked_sort3A_56, %shift_right_arithmetic3A_57 : vector<16xi32>
    %and3A = arith.constant 15 : i32
    %and3A_59 = vector.broadcast %and3A : i32 to vector<16xi32>
    %and3A_60 = arith.andi %masked_sort3A_56, %and3A_59 : vector<16xi32>
    %add3A_61 = arith.constant 0 : i32
    %add3A_62 = vector.broadcast %add3A_61 : i32 to vector<16xi32>
    %add3A_63 = arith.addi %add3A_62, %and3A_60 : vector<16xi32>
    %broadcast_in_dim3A_64 = vector.shape_cast %min3A_7 : vector<16xi32> to vector<16x1xi32>
    %gather3A = vector.shape_cast %broadcast_in_dim3A_64 : vector<16x1xi32> to vector<16xi32>
    %gather3A_65 = tpu.dynamic_gather %masked_sort3A_56[%gather3A] in [0] : vector<16xi32>, vector<16xi32> -> vector<16xi32>
    %shift_right_arithmetic3A_66 = arith.constant 4 : i32
    %shift_right_arithmetic3A_67 = vector.broadcast %shift_right_arithmetic3A_66 : i32 to vector<16xi32>
    %shift_right_arithmetic3A_68 = arith.shrsi %gather3A_65, %shift_right_arithmetic3A_67 : vector<16xi32>
    %ne3A = arith.cmpi ne, %shift_right_arithmetic3A_58, %shift_right_arithmetic3A_68 : vector<16xi32>
    %eq3A = arith.constant 15 : i32
    %eq3A_69 = vector.broadcast %eq3A : i32 to vector<16xi32>
    %eq3A_70 = arith.cmpi eq, %iota3A, %eq3A_69 : vector<16xi32>
    %or3A_71 = arith.ori %ne3A, %eq3A_70 : vector<16xi1>
    %sub3A = vector.broadcast %mul3A_0 : i32 to vector<16xi32>
    %sub3A_72 = arith.subi %shift_right_arithmetic3A_58, %sub3A : vector<16xi32>
    %ge3A = arith.constant 0 : i32
    %ge3A_73 = vector.broadcast %ge3A : i32 to vector<16xi32>
    %ge3A_74 = arith.cmpi sge, %sub3A_72, %ge3A_73 : vector<16xi32>
    %lt3A = arith.constant 62500 : i32
    %lt3A_75 = vector.broadcast %lt3A : i32 to vector<16xi32>
    %lt3A_76 = arith.cmpi slt, %sub3A_72, %lt3A_75 : vector<16xi32>
    %and3A_77 = arith.andi %ge3A_74, %lt3A_76 : vector<16xi1>
    %jit3A = arith.constant 0 : i32
    %jit3A_78 = arith.constant 62499 : i32
    %max3A = vector.broadcast %jit3A : i32 to vector<16xi32>
    %max3A_79 = arith.maxsi %max3A, %sub3A_72 : vector<16xi32>
    %min3A_80 = vector.broadcast %jit3A_78 : i32 to vector<16xi32>
    %min3A_81 = arith.minsi %min3A_80, %max3A_79 : vector<16xi32>
    %and3A_82 = arith.andi %or3A_71, %and3A_77 : vector<16xi1>
    %get3A_83 = arith.constant 16 : index
    %get3A_84 = tpu.vector_load %arg5[%get3A_83] {strides = array<i32>} : memref<16416xi32, #tpu.memory_space<vmem>>, vector<16xi32>,
    %shift_left3A_85 = arith.constant 4 : i32
    %shift_left3A_86 = vector.broadcast %shift_left3A_85 : i32 to vector<16xi32>
    %shift_left3A_87 = arith.shli %get3A_84, %shift_left3A_86 : vector<16xi32>
    %or3A_88 = arith.ori %shift_left3A_87, %iota3A : vector<16xi32>
    %masked_sort3A_89 = arith.constant dense<true> : vector<16xi1>
    %masked_sort3A_90 = arith.constant -2147483648 : i32
    %masked_sort3A_91 = vector.broadcast %masked_sort3A_90 : i32 to vector<16xi32>
    %masked_sort3A_92 = arith.xori %or3A_88, %masked_sort3A_91 : vector<16xi32>
    %masked_sort3A_93, %masked_sort3A_94, %masked_sort3A_95 = tpu.sort %masked_sort3A_92, %iota3A masked %masked_sort3A_89 : (vector<16xi32>, vector<16xi32>, vector<16xi1>) -> (vector<16xi1>, vector<16xi32>, vector<16xi32>)
    %masked_sort3A_96 = arith.xori %masked_sort3A_94, %masked_sort3A_91 : vector<16xi32>
    %shift_right_arithmetic3A_97 = arith.constant 4 : i32
    %shift_right_arithmetic3A_98 = vector.broadcast %shift_right_arithmetic3A_97 : i32 to vector<16xi32>
    %shift_right_arithmetic3A_99 = arith.shrsi %masked_sort3A_96, %shift_right_arithmetic3A_98 : vector<16xi32>
    %and3A_100 = arith.constant 15 : i32
    %and3A_101 = vector.broadcast %and3A_100 : i32 to vector<16xi32>
    %and3A_102 = arith.andi %masked_sort3A_96, %and3A_101 : vector<16xi32>
    %add3A_103 = arith.constant 16 : i32
    %add3A_104 = vector.broadcast %add3A_103 : i32 to vector<16xi32>
    %add3A_105 = arith.addi %add3A_104, %and3A_102 : vector<16xi32>
    %broadcast_in_dim3A_106 = vector.shape_cast %min3A_7 : vector<16xi32> to vector<16x1xi32>
    %gather3A_107 = vector.shape_cast %broadcast_in_dim3A_106 : vector<16x1xi32> to vector<16xi32>
    %gather3A_108 = tpu.dynamic_gather %masked_sort3A_96[%gather3A_107] in [0] : vector<16xi32>, vector<16xi32> -> vector<16xi32>
    %shift_right_arithmetic3A_109 = arith.constant 4 : i32
    %shift_right_arithmetic3A_110 = vector.broadcast %shift_right_arithmetic3A_109 : i32 to vector<16xi32>
    %shift_right_arithmetic3A_111 = arith.shrsi %gather3A_108, %shift_right_arithmetic3A_110 : vector<16xi32>
    %ne3A_112 = arith.cmpi ne, %shift_right_arithmetic3A_99, %shift_right_arithmetic3A_111 : vector<16xi32>
    %eq3A_113 = arith.constant 15 : i32
    %eq3A_114 = vector.broadcast %eq3A_113 : i32 to vector<16xi32>
    %eq3A_115 = arith.cmpi eq, %iota3A, %eq3A_114 : vector<16xi32>
    %or3A_116 = arith.ori %ne3A_112, %eq3A_115 : vector<16xi1>
    %sub3A_117 = vector.broadcast %mul3A_0 : i32 to vector<16xi32>
    %sub3A_118 = arith.subi %shift_right_arithmetic3A_99, %sub3A_117 : vector<16xi32>
    %ge3A_119 = arith.constant 0 : i32
    %ge3A_120 = vector.broadcast %ge3A_119 : i32 to vector<16xi32>
    %ge3A_121 = arith.cmpi sge, %sub3A_118, %ge3A_120 : vector<16xi32>
    %lt3A_122 = arith.constant 62500 : i32
    %lt3A_123 = vector.broadcast %lt3A_122 : i32 to vector<16xi32>
    %lt3A_124 = arith.cmpi slt, %sub3A_118, %lt3A_123 : vector<16xi32>
    %and3A_125 = arith.andi %ge3A_121, %lt3A_124 : vector<16xi1>
    %jit3A_126 = arith.constant 0 : i32
    %jit3A_127 = arith.constant 62499 : i32
    %max3A_128 = vector.broadcast %jit3A_126 : i32 to vector<16xi32>
    %max3A_129 = arith.maxsi %max3A_128, %sub3A_118 : vector<16xi32>
    %min3A_130 = vector.broadcast %jit3A_127 : i32 to vector<16xi32>
    %min3A_131 = arith.minsi %min3A_130, %max3A_129 : vector<16xi32>
    %and3A_132 = arith.andi %or3A_116, %and3A_125 : vector<16xi1>
    %scan3A = arith.constant 0 : i32
    %scan3A_133 = arith.constant 512 : i32
    %scan3A_134 = arith.addi %scan3A, %scan3A_133 : i32
    %scan3A_135 = arith.constant 1 : i32
    %scan3A_136:6 = scf.for %scan3A_390 = %scan3A to %scan3A_134 step %scan3A_135 iter_args(%scan3A_391 = %min3A_81, %scan3A_392 = %add3A_63, %scan3A_393 = %and3A_82, %scan3A_394 = %min3A_131, %scan3A_395 = %add3A_105, %scan3A_396 = %and3A_132) -> (vector<16xi32>, vector<16xi32>, vector<16xi1>, vector<16xi32>, vector<16xi32>, vector<16xi1>)  : i32 {
      %mul3A_397 = arith.constant 2 : i32
      %mul3A_398 = arith.muli %mul3A_397, %scan3A_390 : i32
      %add3A_399 = arith.constant 2 : i32
      %add3A_400 = arith.addi %mul3A_398, %add3A_399 : i32
      %mul3A_401 = arith.constant 16 : i32
      %mul3A_402 = arith.muli %add3A_400, %mul3A_401 : i32
      %get3A_403 = arith.index_cast %mul3A_402 : i32 to index
      %get3A_404 = tpu.vector_load %arg5[%get3A_403] {strides = array<i32>} : memref<16416xi32, #tpu.memory_space<vmem>>, vector<16xi32>,
      %shift_left3A_405 = arith.constant 4 : i32
      %shift_left3A_406 = vector.broadcast %shift_left3A_405 : i32 to vector<16xi32>
      %shift_left3A_407 = arith.shli %get3A_404, %shift_left3A_406 : vector<16xi32>
      %or3A_408 = arith.ori %shift_left3A_407, %iota3A : vector<16xi32>
      %masked_sort3A_409 = arith.constant dense<true> : vector<16xi1>
      %masked_sort3A_410 = arith.constant -2147483648 : i32
      %masked_sort3A_411 = vector.broadcast %masked_sort3A_410 : i32 to vector<16xi32>
      %masked_sort3A_412 = arith.xori %or3A_408, %masked_sort3A_411 : vector<16xi32>
      %masked_sort3A_413, %masked_sort3A_414, %masked_sort3A_415 = tpu.sort %masked_sort3A_412, %iota3A masked %masked_sort3A_409 : (vector<16xi32>, vector<16xi32>, vector<16xi1>) -> (vector<16xi1>, vector<16xi32>, vector<16xi32>)
      %masked_sort3A_416 = arith.xori %masked_sort3A_414, %masked_sort3A_411 : vector<16xi32>
      %shift_right_arithmetic3A_417 = arith.constant 4 : i32
      %shift_right_arithmetic3A_418 = vector.broadcast %shift_right_arithmetic3A_417 : i32 to vector<16xi32>
      %shift_right_arithmetic3A_419 = arith.shrsi %masked_sort3A_416, %shift_right_arithmetic3A_418 : vector<16xi32>
      %mul3A_420 = arith.constant 16 : i32
      %mul3A_421 = arith.muli %add3A_400, %mul3A_420 : i32
      %and3A_422 = arith.constant 15 : i32
      %and3A_423 = vector.broadcast %and3A_422 : i32 to vector<16xi32>
      %and3A_424 = arith.andi %masked_sort3A_416, %and3A_423 : vector<16xi32>
      %add3A_425 = vector.broadcast %mul3A_421 : i32 to vector<16xi32>
      %add3A_426 = arith.addi %add3A_425, %and3A_424 : vector<16xi32>
      %broadcast_in_dim3A_427 = vector.shape_cast %min3A_7 : vector<16xi32> to vector<16x1xi32>
      %gather3A_428 = vector.shape_cast %broadcast_in_dim3A_427 : vector<16x1xi32> to vector<16xi32>
      %gather3A_429 = tpu.dynamic_gather %masked_sort3A_416[%gather3A_428] in [0] : vector<16xi32>, vector<16xi32> -> vector<16xi32>
      %shift_right_arithmetic3A_430 = arith.constant 4 : i32
      %shift_right_arithmetic3A_431 = vector.broadcast %shift_right_arithmetic3A_430 : i32 to vector<16xi32>
      %shift_right_arithmetic3A_432 = arith.shrsi %gather3A_429, %shift_right_arithmetic3A_431 : vector<16xi32>
      %ne3A_433 = arith.cmpi ne, %shift_right_arithmetic3A_419, %shift_right_arithmetic3A_432 : vector<16xi32>
      %eq3A_434 = arith.constant 15 : i32
      %eq3A_435 = vector.broadcast %eq3A_434 : i32 to vector<16xi32>
      %eq3A_436 = arith.cmpi eq, %iota3A, %eq3A_435 : vector<16xi32>
      %or3A_437 = arith.ori %ne3A_433, %eq3A_436 : vector<16xi1>
      %sub3A_438 = vector.broadcast %mul3A_0 : i32 to vector<16xi32>
      %sub3A_439 = arith.subi %shift_right_arithmetic3A_419, %sub3A_438 : vector<16xi32>
      %ge3A_440 = arith.constant 0 : i32
      %ge3A_441 = vector.broadcast %ge3A_440 : i32 to vector<16xi32>
      %ge3A_442 = arith.cmpi sge, %sub3A_439, %ge3A_441 : vector<16xi32>
      %lt3A_443 = arith.constant 62500 : i32
      %lt3A_444 = vector.broadcast %lt3A_443 : i32 to vector<16xi32>
      %lt3A_445 = arith.cmpi slt, %sub3A_439, %lt3A_444 : vector<16xi32>
      %and3A_446 = arith.andi %ge3A_442, %lt3A_445 : vector<16xi1>
      %jit3A_447 = arith.constant 0 : i32
      %jit3A_448 = arith.constant 62499 : i32
      %max3A_449 = vector.broadcast %jit3A_447 : i32 to vector<16xi32>
      %max3A_450 = arith.maxsi %max3A_449, %sub3A_439 : vector<16xi32>
      %min3A_451 = vector.broadcast %jit3A_448 : i32 to vector<16xi32>
      %min3A_452 = arith.minsi %min3A_451, %max3A_450 : vector<16xi32>
      %and3A_453 = arith.andi %or3A_437, %and3A_446 : vector<16xi1>
      %add3A_454 = arith.constant 1 : i32
      %add3A_455 = vector.broadcast %add3A_454 : i32 to vector<16xi32>
      %add3A_456 = arith.addi %scan3A_392, %add3A_455 : vector<16xi32>
      tpu.vector_store_idx %arg6[%scan3A_391], %add3A_456 masked %scan3A_393 : memref<62528xi32, #tpu.memory_space<vmem>>[vector<16xi32>], vector<16xi32>, vector<16xi1>
      %mul3A_457 = arith.constant 2 : i32
      %mul3A_458 = arith.muli %mul3A_457, %scan3A_390 : i32
      %add3A_459 = arith.constant 3 : i32
      %add3A_460 = arith.addi %mul3A_458, %add3A_459 : i32
      %mul3A_461 = arith.constant 16 : i32
      %mul3A_462 = arith.muli %add3A_460, %mul3A_461 : i32
      %get3A_463 = arith.index_cast %mul3A_462 : i32 to index
      %get3A_464 = tpu.vector_load %arg5[%get3A_463] {strides = array<i32>} : memref<16416xi32, #tpu.memory_space<vmem>>, vector<16xi32>,
      %shift_left3A_465 = arith.constant 4 : i32
      %shift_left3A_466 = vector.broadcast %shift_left3A_465 : i32 to vector<16xi32>
      %shift_left3A_467 = arith.shli %get3A_464, %shift_left3A_466 : vector<16xi32>
      %or3A_468 = arith.ori %shift_left3A_467, %iota3A : vector<16xi32>
      %masked_sort3A_469 = arith.constant dense<true> : vector<16xi1>
      %masked_sort3A_470 = arith.constant -2147483648 : i32
      %masked_sort3A_471 = vector.broadcast %masked_sort3A_470 : i32 to vector<16xi32>
      %masked_sort3A_472 = arith.xori %or3A_468, %masked_sort3A_471 : vector<16xi32>
      %masked_sort3A_473, %masked_sort3A_474, %masked_sort3A_475 = tpu.sort %masked_sort3A_472, %iota3A masked %masked_sort3A_469 : (vector<16xi32>, vector<16xi32>, vector<16xi1>) -> (vector<16xi1>, vector<16xi32>, vector<16xi32>)
      %masked_sort3A_476 = arith.xori %masked_sort3A_474, %masked_sort3A_471 : vector<16xi32>
      %shift_right_arithmetic3A_477 = arith.constant 4 : i32
      %shift_right_arithmetic3A_478 = vector.broadcast %shift_right_arithmetic3A_477 : i32 to vector<16xi32>
      %shift_right_arithmetic3A_479 = arith.shrsi %masked_sort3A_476, %shift_right_arithmetic3A_478 : vector<16xi32>
      %mul3A_480 = arith.constant 16 : i32
      %mul3A_481 = arith.muli %add3A_460, %mul3A_480 : i32
      %and3A_482 = arith.constant 15 : i32
      %and3A_483 = vector.broadcast %and3A_482 : i32 to vector<16xi32>
      %and3A_484 = arith.andi %masked_sort3A_476, %and3A_483 : vector<16xi32>
      %add3A_485 = vector.broadcast %mul3A_481 : i32 to vector<16xi32>
      %add3A_486 = arith.addi %add3A_485, %and3A_484 : vector<16xi32>
      %broadcast_in_dim3A_487 = vector.shape_cast %min3A_7 : vector<16xi32> to vector<16x1xi32>
      %gather3A_488 = vector.shape_cast %broadcast_in_dim3A_487 : vector<16x1xi32> to vector<16xi32>
      %gather3A_489 = tpu.dynamic_gather %masked_sort3A_476[%gather3A_488] in [0] : vector<16xi32>, vector<16xi32> -> vector<16xi32>
      %shift_right_arithmetic3A_490 = arith.constant 4 : i32
      %shift_right_arithmetic3A_491 = vector.broadcast %shift_right_arithmetic3A_490 : i32 to vector<16xi32>
      %shift_right_arithmetic3A_492 = arith.shrsi %gather3A_489, %shift_right_arithmetic3A_491 : vector<16xi32>
      %ne3A_493 = arith.cmpi ne, %shift_right_arithmetic3A_479, %shift_right_arithmetic3A_492 : vector<16xi32>
      %eq3A_494 = arith.constant 15 : i32
      %eq3A_495 = vector.broadcast %eq3A_494 : i32 to vector<16xi32>
      %eq3A_496 = arith.cmpi eq, %iota3A, %eq3A_495 : vector<16xi32>
      %or3A_497 = arith.ori %ne3A_493, %eq3A_496 : vector<16xi1>
      %sub3A_498 = vector.broadcast %mul3A_0 : i32 to vector<16xi32>
      %sub3A_499 = arith.subi %shift_right_arithmetic3A_479, %sub3A_498 : vector<16xi32>
      %ge3A_500 = arith.constant 0 : i32
      %ge3A_501 = vector.broadcast %ge3A_500 : i32 to vector<16xi32>
      %ge3A_502 = arith.cmpi sge, %sub3A_499, %ge3A_501 : vector<16xi32>
      %lt3A_503 = arith.constant 62500 : i32
      %lt3A_504 = vector.broadcast %lt3A_503 : i32 to vector<16xi32>
      %lt3A_505 = arith.cmpi slt, %sub3A_499, %lt3A_504 : vector<16xi32>
      %and3A_506 = arith.andi %ge3A_502, %lt3A_505 : vector<16xi1>
      %jit3A_507 = arith.constant 0 : i32
      %jit3A_508 = arith.constant 62499 : i32
      %max3A_509 = vector.broadcast %jit3A_507 : i32 to vector<16xi32>
      %max3A_510 = arith.maxsi %max3A_509, %sub3A_499 : vector<16xi32>
      %min3A_511 = vector.broadcast %jit3A_508 : i32 to vector<16xi32>
      %min3A_512 = arith.minsi %min3A_511, %max3A_510 : vector<16xi32>
      %and3A_513 = arith.andi %or3A_497, %and3A_506 : vector<16xi1>
      %add3A_514 = arith.constant 1 : i32
      %add3A_515 = vector.broadcast %add3A_514 : i32 to vector<16xi32>
      %add3A_516 = arith.addi %scan3A_395, %add3A_515 : vector<16xi32>
      tpu.vector_store_idx %arg6[%scan3A_394], %add3A_516 masked %scan3A_396 : memref<62528xi32, #tpu.memory_space<vmem>>[vector<16xi32>], vector<16xi32>, vector<16xi1>
      scf.yield %min3A_452, %add3A_426, %and3A_453, %min3A_512, %add3A_486, %and3A_513 : vector<16xi32>, vector<16xi32>, vector<16xi1>, vector<16xi32>, vector<16xi32>, vector<16xi1>
    }
    %scan3A_137 = arith.constant 512 : i32
    %mul3A_138 = arith.constant 512 : i32
    %mul3A_139 = arith.muli %arg0, %mul3A_138 : i32
    %mul3A_140 = arith.constant 16 : i32
    %mul3A_141 = arith.muli %mul3A_139, %mul3A_140 : i32
    %get3A_142 = arith.index_cast %mul3A_141 : i32 to index
    %get3A_143 = tpu.vector_load %arg5[%get3A_142] {strides = array<i32>} : memref<16416xi32, #tpu.memory_space<vmem>>, vector<16xi32>,
    %sub3A_144 = vector.broadcast %mul3A_0 : i32 to vector<16xi32>
    %sub3A_145 = arith.subi %get3A_143, %sub3A_144 : vector<16xi32>
    %ge3A_146 = arith.constant 0 : i32
    %ge3A_147 = vector.broadcast %ge3A_146 : i32 to vector<16xi32>
    %ge3A_148 = arith.cmpi sge, %sub3A_145, %ge3A_147 : vector<16xi32>
    %lt3A_149 = arith.constant 62500 : i32
    %lt3A_150 = vector.broadcast %lt3A_149 : i32 to vector<16xi32>
    %lt3A_151 = arith.cmpi slt, %sub3A_145, %lt3A_150 : vector<16xi32>
    %and3A_152 = arith.andi %ge3A_148, %lt3A_151 : vector<16xi1>
    %jit3A_153 = arith.constant 0 : i32
    %jit3A_154 = arith.constant 62499 : i32
    %max3A_155 = vector.broadcast %jit3A_153 : i32 to vector<16xi32>
    %max3A_156 = arith.maxsi %max3A_155, %sub3A_145 : vector<16xi32>
    %min3A_157 = vector.broadcast %jit3A_154 : i32 to vector<16xi32>
    %min3A_158 = arith.minsi %min3A_157, %max3A_156 : vector<16xi32>
    %gather3A_159 = tpu.vector_load_idx %arg6[%min3A_158] : memref<62528xi32, #tpu.memory_space<vmem>>[vector<16xi32>], vector<16xi32>,
    %mul3A_160 = arith.constant 16 : i32
    %mul3A_161 = arith.muli %mul3A_139, %mul3A_160 : i32
    %add3A_162 = vector.broadcast %mul3A_161 : i32 to vector<16xi32>
    %add3A_163 = arith.addi %add3A_162, %iota3A : vector<16xi32>
    %scan3A_164 = arith.constant 0 : i32
    %scan3A_165 = arith.constant 0 : i32
    %scan3A_166 = arith.constant 512 : i32
    %scan3A_167 = arith.addi %scan3A_165, %scan3A_166 : i32
    %scan3A_168 = arith.constant 1 : i32
    %scan3A_169:4 = scf.for %scan3A_390 = %scan3A_165 to %scan3A_167 step %scan3A_168 iter_args(%scan3A_391 = %scan3A_164, %scan3A_392 = %gather3A_159, %scan3A_393 = %and3A_152, %scan3A_394 = %add3A_163) -> (i32, vector<16xi32>, vector<16xi1>, vector<16xi32>)  : i32 {
      %add3A_395 = arith.addi %mul3A_139, %scan3A_390 : i32
      %add3A_396 = arith.constant 1 : i32
      %add3A_397 = arith.addi %add3A_395, %add3A_396 : i32
      %mul3A_398 = arith.constant 16 : i32
      %mul3A_399 = arith.muli %add3A_397, %mul3A_398 : i32
      %get3A_400 = arith.index_cast %mul3A_399 : i32 to index
      %get3A_401 = tpu.vector_load %arg5[%get3A_400] {strides = array<i32>} : memref<16416xi32, #tpu.memory_space<vmem>>, vector<16xi32>,
      %sub3A_402 = vector.broadcast %mul3A_0 : i32 to vector<16xi32>
      %sub3A_403 = arith.subi %get3A_401, %sub3A_402 : vector<16xi32>
      %ge3A_404 = arith.constant 0 : i32
      %ge3A_405 = vector.broadcast %ge3A_404 : i32 to vector<16xi32>
      %ge3A_406 = arith.cmpi sge, %sub3A_403, %ge3A_405 : vector<16xi32>
      %lt3A_407 = arith.constant 62500 : i32
      %lt3A_408 = vector.broadcast %lt3A_407 : i32 to vector<16xi32>
      %lt3A_409 = arith.cmpi slt, %sub3A_403, %lt3A_408 : vector<16xi32>
      %and3A_410 = arith.andi %ge3A_406, %lt3A_409 : vector<16xi1>
      %jit3A_411 = arith.constant 0 : i32
      %jit3A_412 = arith.constant 62499 : i32
      %max3A_413 = vector.broadcast %jit3A_411 : i32 to vector<16xi32>
      %max3A_414 = arith.maxsi %max3A_413, %sub3A_403 : vector<16xi32>
      %min3A_415 = vector.broadcast %jit3A_412 : i32 to vector<16xi32>
      %min3A_416 = arith.minsi %min3A_415, %max3A_414 : vector<16xi32>
      %gather3A_417 = tpu.vector_load_idx %arg6[%min3A_416] : memref<62528xi32, #tpu.memory_space<vmem>>[vector<16xi32>], vector<16xi32>,
      %mul3A_418 = arith.constant 16 : i32
      %mul3A_419 = arith.muli %add3A_397, %mul3A_418 : i32
      %add3A_420 = vector.broadcast %mul3A_419 : i32 to vector<16xi32>
      %add3A_421 = arith.addi %add3A_420, %iota3A : vector<16xi32>
      %sub3A_422 = arith.constant 1 : i32
      %sub3A_423 = vector.broadcast %sub3A_422 : i32 to vector<16xi32>
      %sub3A_424 = arith.subi %scan3A_392, %sub3A_423 : vector<16xi32>
      %ne3A_425 = arith.cmpi ne, %sub3A_424, %scan3A_394 : vector<16xi32>
      %and3A_426 = arith.andi %scan3A_393, %ne3A_425 : vector<16xi1>
      %swap3A = arith.index_cast %scan3A_391 : i32 to index
      %swap3A_427 = tpu.vector_load %arg7[%swap3A] masked %and3A_426 {strides = array<i32>} : memref<272xi32, #tpu.memory_space<vmem>>, vector<16xi32>, vector<16xi1>
      tpu.vector_store %arg7[%swap3A], %scan3A_394 masked %and3A_426 {strides = array<i32>} : memref<272xi32, #tpu.memory_space<vmem>>, vector<16xi32>, vector<16xi1>
      %swap3A_428 = arith.index_cast %scan3A_391 : i32 to index
      %swap3A_429 = tpu.vector_load %arg8[%swap3A_428] masked %and3A_426 {strides = array<i32>} : memref<272xi32, #tpu.memory_space<vmem>>, vector<16xi32>, vector<16xi1>
      tpu.vector_store %arg8[%swap3A_428], %sub3A_424 masked %and3A_426 {strides = array<i32>} : memref<272xi32, #tpu.memory_space<vmem>>, vector<16xi32>, vector<16xi1>
      %all_reduce_population_count3A = tpu.all_reduce %and3A_426 {dim = 0 : i64, kind = #tpu.reduction_kind<sum>} : vector<16xi1> -> vector<16xi32>
      %slice3A = vector.extract_strided_slice %all_reduce_population_count3A {offsets = [0], sizes = [1], strides = [1]} : vector<16xi32> to vector<1xi32>
      %squeeze3A = vector.extract %slice3A[0] : i32 from vector<1xi32>
      %add3A_430 = arith.addi %scan3A_391, %squeeze3A : i32
      scf.yield %add3A_430, %gather3A_417, %and3A_410, %add3A_421 : i32, vector<16xi32>, vector<16xi1>, vector<16xi32>
    }
    %scan3A_170 = arith.constant 512 : i32
    %scan3A_171 = arith.constant 0 : i32
    %scan3A_172 = arith.constant 16 : i32
    %scan3A_173 = arith.addi %scan3A_171, %scan3A_172 : i32
    %scan3A_174 = arith.constant 1 : i32
    %scan3A_175:2 = scf.for %scan3A_390 = %scan3A_171 to %scan3A_173 step %scan3A_174 iter_args(%scan3A_391 = %broadcast_in_dim3A_3, %scan3A_392 = %broadcast_in_dim3A_3) -> (vector<16xi32>, vector<16xi32>)  : i32 {
      %mul3A_393 = arith.constant 16 : i32
      %mul3A_394 = arith.muli %scan3A_390, %mul3A_393 : i32
      %get3A_395 = arith.index_cast %mul3A_394 : i32 to index
      %get3A_396 = tpu.vector_load %arg7[%get3A_395] {strides = array<i32>} : memref<272xi32, #tpu.memory_space<vmem>>, vector<16xi32>,
      %mul3A_397 = arith.constant 16 : i32
      %mul3A_398 = arith.muli %scan3A_390, %mul3A_397 : i32
      %get3A_399 = arith.index_cast %mul3A_398 : i32 to index
      %get3A_400 = tpu.vector_load %arg8[%get3A_399] {strides = array<i32>} : memref<272xi32, #tpu.memory_space<vmem>>, vector<16xi32>,
      %eq3A_401 = arith.constant 0 : i32
      %eq3A_402 = arith.cmpi eq, %scan3A_390, %eq3A_401 : i32
      %broadcast_in_dim3A_403 = vector.shape_cast %broadcast_in_dim3A_3 : vector<16xi32> to vector<16x1xi32>
      %gather3A_404 = vector.shape_cast %broadcast_in_dim3A_403 : vector<16x1xi32> to vector<16xi32>
      %gather3A_405 = tpu.dynamic_gather %get3A_396[%gather3A_404] in [0] : vector<16xi32>, vector<16xi32> -> vector<16xi32>
      %select_n3A = arith.select %eq3A_402, %gather3A_405, %scan3A_391 : vector<16xi32>
      %broadcast_in_dim3A_406 = vector.shape_cast %broadcast_in_dim3A_3 : vector<16xi32> to vector<16x1xi32>
      %gather3A_407 = vector.shape_cast %broadcast_in_dim3A_406 : vector<16x1xi32> to vector<16xi32>
      %gather3A_408 = tpu.dynamic_gather %get3A_400[%gather3A_407] in [0] : vector<16xi32>, vector<16xi32> -> vector<16xi32>
      %select_n3A_409 = arith.select %eq3A_402, %gather3A_408, %scan3A_392 : vector<16xi32>
      %mul3A_410 = arith.constant 16 : i32
      %mul3A_411 = arith.muli %scan3A_390, %mul3A_410 : i32
      %add3A_412 = vector.broadcast %mul3A_411 : i32 to vector<16xi32>
      %add3A_413 = arith.addi %add3A_412, %iota3A : vector<16xi32>
      %lt3A_414 = vector.broadcast %scan3A_169#0 : i32 to vector<16xi32>
      %lt3A_415 = arith.cmpi slt, %add3A_413, %lt3A_414 : vector<16xi32>
      %select_n3A_416 = arith.select %lt3A_415, %get3A_396, %select_n3A : vector<16xi1>, vector<16xi32>
      %select_n3A_417 = arith.select %lt3A_415, %get3A_400, %select_n3A_409 : vector<16xi1>, vector<16xi32>
      %jit3A_418 = arith.constant 0 : i32
      %jit3A_419 = arith.constant 16383 : i32
      %max3A_420 = vector.broadcast %jit3A_418 : i32 to vector<16xi32>
      %max3A_421 = arith.maxsi %max3A_420, %select_n3A_417 : vector<16xi32>
      %min3A_422 = vector.broadcast %jit3A_419 : i32 to vector<16xi32>
      %min3A_423 = arith.minsi %min3A_422, %max3A_421 : vector<16xi32>
      %mul3A_424 = arith.constant 16 : i32
      %mul3A_425 = arith.muli %scan3A_390, %mul3A_424 : i32
      %swap3A = arith.index_cast %mul3A_425 : i32 to index
      %swap3A_426 = tpu.vector_load %arg8[%swap3A] {strides = array<i32>} : memref<272xi32, #tpu.memory_space<vmem>>, vector<16xi32>,
      tpu.vector_store %arg8[%swap3A], %min3A_423 {strides = array<i32>} : memref<272xi32, #tpu.memory_space<vmem>>, vector<16xi32>,
      %jit3A_427 = arith.constant 2 : i32
      %div3A = arith.divsi %scan3A_390, %jit3A_427 : i32
      %sign3A = arith.constant 0 : i32
      %sign3A_428 = arith.cmpi sgt, %scan3A_390, %sign3A : i32
      %sign3A_429 = arith.extui %sign3A_428 : i1 to i32
      %sign3A_430 = arith.constant 0 : i32
      %sign3A_431 = arith.cmpi slt, %scan3A_390, %sign3A_430 : i32
      %sign3A_432 = arith.extui %sign3A_431 : i1 to i32
      %sign3A_433 = arith.subi %sign3A_429, %sign3A_432 : i32
      %sign3A_434 = arith.constant 0 : i32
      %sign3A_435 = arith.cmpi sgt, %jit3A_427, %sign3A_434 : i32
      %sign3A_436 = arith.extui %sign3A_435 : i1 to i32
      %sign3A_437 = arith.constant 0 : i32
      %sign3A_438 = arith.cmpi slt, %jit3A_427, %sign3A_437 : i32
      %sign3A_439 = arith.extui %sign3A_438 : i1 to i32
      %sign3A_440 = arith.subi %sign3A_436, %sign3A_439 : i32
      %ne3A_441 = arith.cmpi ne, %sign3A_433, %sign3A_440 : i32
      %rem3A = arith.remsi %scan3A_390, %jit3A_427 : i32
      %ne3A_442 = arith.constant 0 : i32
      %ne3A_443 = arith.cmpi ne, %rem3A, %ne3A_442 : i32
      %and3A_444 = arith.andi %ne3A_441, %ne3A_443 : i1
      %sub3A_445 = arith.constant 1 : i32
      %sub3A_446 = arith.subi %div3A, %sub3A_445 : i32
      %select_n3A_447 = arith.select %and3A_444, %sub3A_446, %div3A : i32
      %jit3A_448 = arith.constant 2 : i32
      %eq3A_449 = arith.constant 0 : i32
      %eq3A_450 = arith.cmpi eq, %jit3A_448, %eq3A_449 : i32
      %jit3A_451 = arith.constant 1 : i32
      %select_n3A_452 = arith.select %eq3A_450, %jit3A_451, %jit3A_448 : i32
      %rem3A_453 = arith.remsi %scan3A_390, %select_n3A_452 : i32
      %ne3A_454 = arith.constant 0 : i32
      %ne3A_455 = arith.cmpi ne, %rem3A_453, %ne3A_454 : i32
      %lt3A_456 = arith.constant 0 : i32
      %lt3A_457 = arith.cmpi slt, %rem3A_453, %lt3A_456 : i32
      %lt3A_458 = arith.constant 0 : i32
      %lt3A_459 = arith.cmpi slt, %select_n3A_452, %lt3A_458 : i32
      %ne3A_460 = arith.xori %lt3A_457, %lt3A_459 : i1
      %and3A_461 = arith.andi %ne3A_460, %ne3A_455 : i1
      %add3A_462 = arith.addi %rem3A_453, %select_n3A_452 : i32
      %select_n3A_463 = arith.select %and3A_461, %add3A_462, %rem3A_453 : i32
      %mul3A_464 = arith.constant 16 : i32
      %mul3A_465 = arith.muli %select_n3A_463, %mul3A_464 : i32
      %swap3A_466 = arith.constant 0 : i32
      %swap3A_467 = tpu.memref_slice %arg9[%select_n3A_447, %swap3A_466] : memref<8x32xi32, #tpu.memory_space<vmem>> -> memref<1x32xi32, #tpu.memory_space<vmem>>
      %swap3A_468 = tpu.memref_squeeze %swap3A_467 : memref<1x32xi32, #tpu.memory_space<vmem>> -> memref<32xi32, #tpu.memory_space<vmem>>
      %swap3A_469 = arith.index_cast %mul3A_465 : i32 to index
      %swap3A_470 = tpu.vector_load %swap3A_468[%swap3A_469] {strides = array<i32>} : memref<32xi32, #tpu.memory_space<vmem>>, vector<16xi32>,
      tpu.vector_store %swap3A_468[%swap3A_469], %select_n3A_416 {strides = array<i32>} : memref<32xi32, #tpu.memory_space<vmem>>, vector<16xi32>,
      scf.yield %select_n3A, %select_n3A_409 : vector<16xi32>, vector<16xi32>
    }
    %scan3A_176 = arith.constant 16 : i32
    %dma_start3A_177 = arith.constant 0 : i32
    %dma_start3A_178 = tpu.memref_slice %arg8[%dma_start3A_177] : memref<272xi32, #tpu.memory_space<vmem>> -> memref<32xi32, #tpu.memory_space<vmem>>
    %dma_start3A_179 = arith.constant 0 : i32
    %dma_start3A_180 = arith.constant 0 : i32
    %dma_start3A_181 = tpu.memref_slice %arg3[%dma_start3A_179, %dma_start3A_180] : memref<16384x128xf32, #tpu.memory_space<hbm>> -> memref<16384x128xf32, #tpu.memory_space<hbm>>
    tpu.enqueue_indirect_dma source(%dma_start3A_181 : memref<16384x128xf32, #tpu.memory_space<hbm>>) target(%arg10 : memref<32x128xf32, #tpu.memory_space<vmem>>) offsets(%dma_start3A_178 : memref<32xi32, #tpu.memory_space<vmem>>) semaphore(%arg17 : memref<!tpu.dma_semaphore, #tpu.memory_space<semaphore_mem>>)
    %dma_wait3A_182 = arith.constant 0 : i32
    %dma_wait3A_183 = arith.constant 0 : i32
    %dma_wait3A_184 = arith.constant 0 : i32
    %dma_wait3A_185 = tpu.memref_slice %arg11[%dma_wait3A_182, %dma_wait3A_183, %dma_wait3A_184] : memref<2x128x128xf32, #tpu.memory_space<vmem>> -> memref<1x128x128xf32, #tpu.memory_space<vmem>>
    %dma_wait3A_186 = tpu.memref_squeeze %dma_wait3A_185 : memref<1x128x128xf32, #tpu.memory_space<vmem>> -> memref<128x128xf32, #tpu.memory_space<vmem>>
    %dma_wait3A_187 = arith.constant 0 : i32
    %dma_wait3A_188 = tpu.memref_slice %arg3[%add3A_15, %dma_wait3A_187] : memref<16384x128xf32, #tpu.memory_space<hbm>> -> memref<128x128xf32, #tpu.memory_space<hbm>>
    %dma_wait3A_189 = arith.constant 0 : i32
    %dma_wait3A_190 = arith.constant 0 : i32
    %dma_wait3A_191 = tpu.memref_slice %arg11[%dma_wait3A_182, %dma_wait3A_189, %dma_wait3A_190] : memref<2x128x128xf32, #tpu.memory_space<vmem>> -> memref<1x128x128xf32, #tpu.memory_space<vmem>>
    %dma_wait3A_192 = tpu.memref_squeeze %dma_wait3A_191 : memref<1x128x128xf32, #tpu.memory_space<vmem>> -> memref<128x128xf32, #tpu.memory_space<vmem>>
    %dma_wait3A_193 = arith.constant 0 : i32
    %dma_wait3A_194 = tpu.memref_slice %arg3[%add3A_15, %dma_wait3A_193] : memref<16384x128xf32, #tpu.memory_space<hbm>> -> memref<128x128xf32, #tpu.memory_space<hbm>>
    tpu.wait_dma2 semaphore(%arg13 : memref<!tpu.dma_semaphore, #tpu.memory_space<semaphore_mem>>) src(%dma_wait3A_194 : memref<128x128xf32, #tpu.memory_space<hbm>>) dst(%dma_wait3A_192 : memref<128x128xf32, #tpu.memory_space<vmem>>)
    %add3A_195 = arith.constant 0 : i32
    %add3A_196 = arith.addi %add3A_10, %add3A_195 : i32
    %dma_start3A_197 = arith.constant 0 : i32
    %dma_start3A_198 = arith.constant 0 : i32
    %dma_start3A_199 = arith.constant 0 : i32
    %dma_start3A_200 = tpu.memref_slice %arg11[%dma_start3A_197, %dma_start3A_198, %dma_start3A_199] : memref<2x128x128xf32, #tpu.memory_space<vmem>> -> memref<1x128x128xf32, #tpu.memory_space<vmem>>
    %dma_start3A_201 = tpu.memref_squeeze %dma_start3A_200 : memref<1x128x128xf32, #tpu.memory_space<vmem>> -> memref<128x128xf32, #tpu.memory_space<vmem>>
    %dma_start3A_202 = arith.constant 0 : i32
    %dma_start3A_203 = tpu.memref_slice %arg4[%add3A_196, %dma_start3A_202] : memref<16384x128xf32, #tpu.memory_space<hbm>> -> memref<128x128xf32, #tpu.memory_space<hbm>>
    %dma_start3A_204 = arith.constant 0 : i32
    %dma_start3A_205 = tpu.memref_slice %arg4[%add3A_196, %dma_start3A_204] : memref<16384x128xf32, #tpu.memory_space<hbm>> -> memref<128x128xf32, #tpu.memory_space<hbm>>
    %dma_start3A_206 = arith.constant 0 : i32
    %dma_start3A_207 = arith.constant 0 : i32
    %dma_start3A_208 = tpu.memref_slice %arg11[%dma_start3A_197, %dma_start3A_206, %dma_start3A_207] : memref<2x128x128xf32, #tpu.memory_space<vmem>> -> memref<1x128x128xf32, #tpu.memory_space<vmem>>
    %dma_start3A_209 = tpu.memref_squeeze %dma_start3A_208 : memref<1x128x128xf32, #tpu.memory_space<vmem>> -> memref<128x128xf32, #tpu.memory_space<vmem>>
    tpu.enqueue_dma source(%dma_start3A_209 : memref<128x128xf32, #tpu.memory_space<vmem>>) target(%dma_start3A_205 : memref<128x128xf32, #tpu.memory_space<hbm>>) target_semaphore(%arg15 : memref<!tpu.dma_semaphore, #tpu.memory_space<semaphore_mem>>)
    %dma_wait3A_210 = arith.constant 1 : i32
    %dma_wait3A_211 = arith.constant 0 : i32
    %dma_wait3A_212 = arith.constant 0 : i32
    %dma_wait3A_213 = tpu.memref_slice %arg11[%dma_wait3A_210, %dma_wait3A_211, %dma_wait3A_212] : memref<2x128x128xf32, #tpu.memory_space<vmem>> -> memref<1x128x128xf32, #tpu.memory_space<vmem>>
    %dma_wait3A_214 = tpu.memref_squeeze %dma_wait3A_213 : memref<1x128x128xf32, #tpu.memory_space<vmem>> -> memref<128x128xf32, #tpu.memory_space<vmem>>
    %dma_wait3A_215 = arith.constant 0 : i32
    %dma_wait3A_216 = tpu.memref_slice %arg3[%add3A_30, %dma_wait3A_215] : memref<16384x128xf32, #tpu.memory_space<hbm>> -> memref<128x128xf32, #tpu.memory_space<hbm>>
    %dma_wait3A_217 = arith.constant 0 : i32
    %dma_wait3A_218 = arith.constant 0 : i32
    %dma_wait3A_219 = tpu.memref_slice %arg11[%dma_wait3A_210, %dma_wait3A_217, %dma_wait3A_218] : memref<2x128x128xf32, #tpu.memory_space<vmem>> -> memref<1x128x128xf32, #tpu.memory_space<vmem>>
    %dma_wait3A_220 = tpu.memref_squeeze %dma_wait3A_219 : memref<1x128x128xf32, #tpu.memory_space<vmem>> -> memref<128x128xf32, #tpu.memory_space<vmem>>
    %dma_wait3A_221 = arith.constant 0 : i32
    %dma_wait3A_222 = tpu.memref_slice %arg3[%add3A_30, %dma_wait3A_221] : memref<16384x128xf32, #tpu.memory_space<hbm>> -> memref<128x128xf32, #tpu.memory_space<hbm>>
    tpu.wait_dma2 semaphore(%arg14 : memref<!tpu.dma_semaphore, #tpu.memory_space<semaphore_mem>>) src(%dma_wait3A_222 : memref<128x128xf32, #tpu.memory_space<hbm>>) dst(%dma_wait3A_220 : memref<128x128xf32, #tpu.memory_space<vmem>>)
    %add3A_223 = arith.constant 128 : i32
    %add3A_224 = arith.addi %add3A_10, %add3A_223 : i32
    %dma_start3A_225 = arith.constant 1 : i32
    %dma_start3A_226 = arith.constant 0 : i32
    %dma_start3A_227 = arith.constant 0 : i32
    %dma_start3A_228 = tpu.memref_slice %arg11[%dma_start3A_225, %dma_start3A_226, %dma_start3A_227] : memref<2x128x128xf32, #tpu.memory_space<vmem>> -> memref<1x128x128xf32, #tpu.memory_space<vmem>>
    %dma_start3A_229 = tpu.memref_squeeze %dma_start3A_228 : memref<1x128x128xf32, #tpu.memory_space<vmem>> -> memref<128x128xf32, #tpu.memory_space<vmem>>
    %dma_start3A_230 = arith.constant 0 : i32
    %dma_start3A_231 = tpu.memref_slice %arg4[%add3A_224, %dma_start3A_230] : memref<16384x128xf32, #tpu.memory_space<hbm>> -> memref<128x128xf32, #tpu.memory_space<hbm>>
    %dma_start3A_232 = arith.constant 0 : i32
    %dma_start3A_233 = tpu.memref_slice %arg4[%add3A_224, %dma_start3A_232] : memref<16384x128xf32, #tpu.memory_space<hbm>> -> memref<128x128xf32, #tpu.memory_space<hbm>>
    %dma_start3A_234 = arith.constant 0 : i32
    %dma_start3A_235 = arith.constant 0 : i32
    %dma_start3A_236 = tpu.memref_slice %arg11[%dma_start3A_225, %dma_start3A_234, %dma_start3A_235] : memref<2x128x128xf32, #tpu.memory_space<vmem>> -> memref<1x128x128xf32, #tpu.memory_space<vmem>>
    %dma_start3A_237 = tpu.memref_squeeze %dma_start3A_236 : memref<1x128x128xf32, #tpu.memory_space<vmem>> -> memref<128x128xf32, #tpu.memory_space<vmem>>
    tpu.enqueue_dma source(%dma_start3A_237 : memref<128x128xf32, #tpu.memory_space<vmem>>) target(%dma_start3A_233 : memref<128x128xf32, #tpu.memory_space<hbm>>) target_semaphore(%arg16 : memref<!tpu.dma_semaphore, #tpu.memory_space<semaphore_mem>>)
    %dma_wait3A_238 = arith.constant 0 : i32
    %dma_wait3A_239 = arith.constant 0 : i32
    %dma_wait3A_240 = arith.constant 0 : i32
    %dma_wait3A_241 = tpu.memref_slice %arg11[%dma_wait3A_238, %dma_wait3A_239, %dma_wait3A_240] : memref<2x128x128xf32, #tpu.memory_space<vmem>> -> memref<1x128x128xf32, #tpu.memory_space<vmem>>
    %dma_wait3A_242 = tpu.memref_squeeze %dma_wait3A_241 : memref<1x128x128xf32, #tpu.memory_space<vmem>> -> memref<128x128xf32, #tpu.memory_space<vmem>>
    %dma_wait3A_243 = arith.constant 0 : i32
    %dma_wait3A_244 = tpu.memref_slice %arg4[%add3A_196, %dma_wait3A_243] : memref<16384x128xf32, #tpu.memory_space<hbm>> -> memref<128x128xf32, #tpu.memory_space<hbm>>
    %dma_wait3A_245 = arith.constant 0 : i32
    %dma_wait3A_246 = tpu.memref_slice %arg4[%add3A_196, %dma_wait3A_245] : memref<16384x128xf32, #tpu.memory_space<hbm>> -> memref<128x128xf32, #tpu.memory_space<hbm>>
    %dma_wait3A_247 = arith.constant 0 : i32
    %dma_wait3A_248 = arith.constant 0 : i32
    %dma_wait3A_249 = tpu.memref_slice %arg11[%dma_wait3A_238, %dma_wait3A_247, %dma_wait3A_248] : memref<2x128x128xf32, #tpu.memory_space<vmem>> -> memref<1x128x128xf32, #tpu.memory_space<vmem>>
    %dma_wait3A_250 = tpu.memref_squeeze %dma_wait3A_249 : memref<1x128x128xf32, #tpu.memory_space<vmem>> -> memref<128x128xf32, #tpu.memory_space<vmem>>
    tpu.wait_dma2 semaphore(%arg15 : memref<!tpu.dma_semaphore, #tpu.memory_space<semaphore_mem>>) src(%dma_wait3A_250 : memref<128x128xf32, #tpu.memory_space<vmem>>) dst(%dma_wait3A_246 : memref<128x128xf32, #tpu.memory_space<hbm>>)
    %dma_wait3A_251 = arith.constant 1 : i32
    %dma_wait3A_252 = arith.constant 0 : i32
    %dma_wait3A_253 = arith.constant 0 : i32
    %dma_wait3A_254 = tpu.memref_slice %arg11[%dma_wait3A_251, %dma_wait3A_252, %dma_wait3A_253] : memref<2x128x128xf32, #tpu.memory_space<vmem>> -> memref<1x128x128xf32, #tpu.memory_space<vmem>>
    %dma_wait3A_255 = tpu.memref_squeeze %dma_wait3A_254 : memref<1x128x128xf32, #tpu.memory_space<vmem>> -> memref<128x128xf32, #tpu.memory_space<vmem>>
    %dma_wait3A_256 = arith.constant 0 : i32
    %dma_wait3A_257 = tpu.memref_slice %arg4[%add3A_224, %dma_wait3A_256] : memref<16384x128xf32, #tpu.memory_space<hbm>> -> memref<128x128xf32, #tpu.memory_space<hbm>>
    %dma_wait3A_258 = arith.constant 0 : i32
    %dma_wait3A_259 = tpu.memref_slice %arg4[%add3A_224, %dma_wait3A_258] : memref<16384x128xf32, #tpu.memory_space<hbm>> -> memref<128x128xf32, #tpu.memory_space<hbm>>
    %dma_wait3A_260 = arith.constant 0 : i32
    %dma_wait3A_261 = arith.constant 0 : i32
    %dma_wait3A_262 = tpu.memref_slice %arg11[%dma_wait3A_251, %dma_wait3A_260, %dma_wait3A_261] : memref<2x128x128xf32, #tpu.memory_space<vmem>> -> memref<1x128x128xf32, #tpu.memory_space<vmem>>
    %dma_wait3A_263 = tpu.memref_squeeze %dma_wait3A_262 : memref<1x128x128xf32, #tpu.memory_space<vmem>> -> memref<128x128xf32, #tpu.memory_space<vmem>>
    tpu.wait_dma2 semaphore(%arg16 : memref<!tpu.dma_semaphore, #tpu.memory_space<semaphore_mem>>) src(%dma_wait3A_263 : memref<128x128xf32, #tpu.memory_space<vmem>>) dst(%dma_wait3A_259 : memref<128x128xf32, #tpu.memory_space<hbm>>)
    %add3A_264 = arith.constant 256 : i32
    %add3A_265 = arith.addi %add3A_10, %add3A_264 : i32
    %dma_start3A_266 = arith.constant 0 : i32
    %dma_start3A_267 = arith.constant 0 : i32
    %dma_start3A_268 = arith.constant 0 : i32
    %dma_start3A_269 = tpu.memref_slice %arg11[%dma_start3A_266, %dma_start3A_267, %dma_start3A_268] : memref<2x128x128xf32, #tpu.memory_space<vmem>> -> memref<1x128x128xf32, #tpu.memory_space<vmem>>
    %dma_start3A_270 = tpu.memref_squeeze %dma_start3A_269 : memref<1x128x128xf32, #tpu.memory_space<vmem>> -> memref<128x128xf32, #tpu.memory_space<vmem>>
    %dma_start3A_271 = arith.constant 0 : i32
    %dma_start3A_272 = tpu.memref_slice %arg3[%add3A_265, %dma_start3A_271] : memref<16384x128xf32, #tpu.memory_space<hbm>> -> memref<128x128xf32, #tpu.memory_space<hbm>>
    %dma_start3A_273 = arith.constant 0 : i32
    %dma_start3A_274 = arith.constant 0 : i32
    %dma_start3A_275 = tpu.memref_slice %arg11[%dma_start3A_266, %dma_start3A_273, %dma_start3A_274] : memref<2x128x128xf32, #tpu.memory_space<vmem>> -> memref<1x128x128xf32, #tpu.memory_space<vmem>>
    %dma_start3A_276 = tpu.memref_squeeze %dma_start3A_275 : memref<1x128x128xf32, #tpu.memory_space<vmem>> -> memref<128x128xf32, #tpu.memory_space<vmem>>
    %dma_start3A_277 = arith.constant 0 : i32
    %dma_start3A_278 = tpu.memref_slice %arg3[%add3A_265, %dma_start3A_277] : memref<16384x128xf32, #tpu.memory_space<hbm>> -> memref<128x128xf32, #tpu.memory_space<hbm>>
    tpu.enqueue_dma source(%dma_start3A_278 : memref<128x128xf32, #tpu.memory_space<hbm>>) target(%dma_start3A_276 : memref<128x128xf32, #tpu.memory_space<vmem>>) target_semaphore(%arg13 : memref<!tpu.dma_semaphore, #tpu.memory_space<semaphore_mem>>)
    %add3A_279 = arith.constant 384 : i32
    %add3A_280 = arith.addi %add3A_10, %add3A_279 : i32
    %dma_start3A_281 = arith.constant 1 : i32
    %dma_start3A_282 = arith.constant 0 : i32
    %dma_start3A_283 = arith.constant 0 : i32
    %dma_start3A_284 = tpu.memref_slice %arg11[%dma_start3A_281, %dma_start3A_282, %dma_start3A_283] : memref<2x128x128xf32, #tpu.memory_space<vmem>> -> memref<1x128x128xf32, #tpu.memory_space<vmem>>
    %dma_start3A_285 = tpu.memref_squeeze %dma_start3A_284 : memref<1x128x128xf32, #tpu.memory_space<vmem>> -> memref<128x128xf32, #tpu.memory_space<vmem>>
    %dma_start3A_286 = arith.constant 0 : i32
    %dma_start3A_287 = tpu.memref_slice %arg3[%add3A_280, %dma_start3A_286] : memref<16384x128xf32, #tpu.memory_space<hbm>> -> memref<128x128xf32, #tpu.memory_space<hbm>>
    %dma_start3A_288 = arith.constant 0 : i32
    %dma_start3A_289 = arith.constant 0 : i32
    %dma_start3A_290 = tpu.memref_slice %arg11[%dma_start3A_281, %dma_start3A_288, %dma_start3A_289] : memref<2x128x128xf32, #tpu.memory_space<vmem>> -> memref<1x128x128xf32, #tpu.memory_space<vmem>>
    %dma_start3A_291 = tpu.memref_squeeze %dma_start3A_290 : memref<1x128x128xf32, #tpu.memory_space<vmem>> -> memref<128x128xf32, #tpu.memory_space<vmem>>
    %dma_start3A_292 = arith.constant 0 : i32
    %dma_start3A_293 = tpu.memref_slice %arg3[%add3A_280, %dma_start3A_292] : memref<16384x128xf32, #tpu.memory_space<hbm>> -> memref<128x128xf32, #tpu.memory_space<hbm>>
    tpu.enqueue_dma source(%dma_start3A_293 : memref<128x128xf32, #tpu.memory_space<hbm>>) target(%dma_start3A_291 : memref<128x128xf32, #tpu.memory_space<vmem>>) target_semaphore(%arg14 : memref<!tpu.dma_semaphore, #tpu.memory_space<semaphore_mem>>)
    %dma_wait3A_294 = arith.constant 0 : i32
    %dma_wait3A_295 = arith.constant 0 : i32
    %dma_wait3A_296 = arith.constant 0 : i32
    %dma_wait3A_297 = tpu.memref_slice %arg11[%dma_wait3A_294, %dma_wait3A_295, %dma_wait3A_296] : memref<2x128x128xf32, #tpu.memory_space<vmem>> -> memref<1x128x128xf32, #tpu.memory_space<vmem>>
    %dma_wait3A_298 = tpu.memref_squeeze %dma_wait3A_297 : memref<1x128x128xf32, #tpu.memory_space<vmem>> -> memref<128x128xf32, #tpu.memory_space<vmem>>
    %dma_wait3A_299 = arith.constant 0 : i32
    %dma_wait3A_300 = tpu.memref_slice %arg3[%add3A_265, %dma_wait3A_299] : memref<16384x128xf32, #tpu.memory_space<hbm>> -> memref<128x128xf32, #tpu.memory_space<hbm>>
    %dma_wait3A_301 = arith.constant 0 : i32
    %dma_wait3A_302 = arith.constant 0 : i32
    %dma_wait3A_303 = tpu.memref_slice %arg11[%dma_wait3A_294, %dma_wait3A_301, %dma_wait3A_302] : memref<2x128x128xf32, #tpu.memory_space<vmem>> -> memref<1x128x128xf32, #tpu.memory_space<vmem>>
    %dma_wait3A_304 = tpu.memref_squeeze %dma_wait3A_303 : memref<1x128x128xf32, #tpu.memory_space<vmem>> -> memref<128x128xf32, #tpu.memory_space<vmem>>
    %dma_wait3A_305 = arith.constant 0 : i32
    %dma_wait3A_306 = tpu.memref_slice %arg3[%add3A_265, %dma_wait3A_305] : memref<16384x128xf32, #tpu.memory_space<hbm>> -> memref<128x128xf32, #tpu.memory_space<hbm>>
    tpu.wait_dma2 semaphore(%arg13 : memref<!tpu.dma_semaphore, #tpu.memory_space<semaphore_mem>>) src(%dma_wait3A_306 : memref<128x128xf32, #tpu.memory_space<hbm>>) dst(%dma_wait3A_304 : memref<128x128xf32, #tpu.memory_space<vmem>>)
    %add3A_307 = arith.constant 256 : i32
    %add3A_308 = arith.addi %add3A_10, %add3A_307 : i32
    %dma_start3A_309 = arith.constant 0 : i32
    %dma_start3A_310 = arith.constant 0 : i32
    %dma_start3A_311 = arith.constant 0 : i32
    %dma_start3A_312 = tpu.memref_slice %arg11[%dma_start3A_309, %dma_start3A_310, %dma_start3A_311] : memref<2x128x128xf32, #tpu.memory_space<vmem>> -> memref<1x128x128xf32, #tpu.memory_space<vmem>>
    %dma_start3A_313 = tpu.memref_squeeze %dma_start3A_312 : memref<1x128x128xf32, #tpu.memory_space<vmem>> -> memref<128x128xf32, #tpu.memory_space<vmem>>
    %dma_start3A_314 = arith.constant 0 : i32
    %dma_start3A_315 = tpu.memref_slice %arg4[%add3A_308, %dma_start3A_314] : memref<16384x128xf32, #tpu.memory_space<hbm>> -> memref<128x128xf32, #tpu.memory_space<hbm>>
    %dma_start3A_316 = arith.constant 0 : i32
    %dma_start3A_317 = tpu.memref_slice %arg4[%add3A_308, %dma_start3A_316] : memref<16384x128xf32, #tpu.memory_space<hbm>> -> memref<128x128xf32, #tpu.memory_space<hbm>>
    %dma_start3A_318 = arith.constant 0 : i32
    %dma_start3A_319 = arith.constant 0 : i32
    %dma_start3A_320 = tpu.memref_slice %arg11[%dma_start3A_309, %dma_start3A_318, %dma_start3A_319] : memref<2x128x128xf32, #tpu.memory_space<vmem>> -> memref<1x128x128xf32, #tpu.memory_space<vmem>>
    %dma_start3A_321 = tpu.memref_squeeze %dma_start3A_320 : memref<1x128x128xf32, #tpu.memory_space<vmem>> -> memref<128x128xf32, #tpu.memory_space<vmem>>
    tpu.enqueue_dma source(%dma_start3A_321 : memref<128x128xf32, #tpu.memory_space<vmem>>) target(%dma_start3A_317 : memref<128x128xf32, #tpu.memory_space<hbm>>) target_semaphore(%arg15 : memref<!tpu.dma_semaphore, #tpu.memory_space<semaphore_mem>>)
    %dma_wait3A_322 = arith.constant 1 : i32
    %dma_wait3A_323 = arith.constant 0 : i32
    %dma_wait3A_324 = arith.constant 0 : i32
    %dma_wait3A_325 = tpu.memref_slice %arg11[%dma_wait3A_322, %dma_wait3A_323, %dma_wait3A_324] : memref<2x128x128xf32, #tpu.memory_space<vmem>> -> memref<1x128x128xf32, #tpu.memory_space<vmem>>
    %dma_wait3A_326 = tpu.memref_squeeze %dma_wait3A_325 : memref<1x128x128xf32, #tpu.memory_space<vmem>> -> memref<128x128xf32, #tpu.memory_space<vmem>>
    %dma_wait3A_327 = arith.constant 0 : i32
    %dma_wait3A_328 = tpu.memref_slice %arg3[%add3A_280, %dma_wait3A_327] : memref<16384x128xf32, #tpu.memory_space<hbm>> -> memref<128x128xf32, #tpu.memory_space<hbm>>
    %dma_wait3A_329 = arith.constant 0 : i32
    %dma_wait3A_330 = arith.constant 0 : i32
    %dma_wait3A_331 = tpu.memref_slice %arg11[%dma_wait3A_322, %dma_wait3A_329, %dma_wait3A_330] : memref<2x128x128xf32, #tpu.memory_space<vmem>> -> memref<1x128x128xf32, #tpu.memory_space<vmem>>
    %dma_wait3A_332 = tpu.memref_squeeze %dma_wait3A_331 : memref<1x128x128xf32, #tpu.memory_space<vmem>> -> memref<128x128xf32, #tpu.memory_space<vmem>>
    %dma_wait3A_333 = arith.constant 0 : i32
    %dma_wait3A_334 = tpu.memref_slice %arg3[%add3A_280, %dma_wait3A_333] : memref<16384x128xf32, #tpu.memory_space<hbm>> -> memref<128x128xf32, #tpu.memory_space<hbm>>
    tpu.wait_dma2 semaphore(%arg14 : memref<!tpu.dma_semaphore, #tpu.memory_space<semaphore_mem>>) src(%dma_wait3A_334 : memref<128x128xf32, #tpu.memory_space<hbm>>) dst(%dma_wait3A_332 : memref<128x128xf32, #tpu.memory_space<vmem>>)
    %add3A_335 = arith.constant 384 : i32
    %add3A_336 = arith.addi %add3A_10, %add3A_335 : i32
    %dma_start3A_337 = arith.constant 1 : i32
    %dma_start3A_338 = arith.constant 0 : i32
    %dma_start3A_339 = arith.constant 0 : i32
    %dma_start3A_340 = tpu.memref_slice %arg11[%dma_start3A_337, %dma_start3A_338, %dma_start3A_339] : memref<2x128x128xf32, #tpu.memory_space<vmem>> -> memref<1x128x128xf32, #tpu.memory_space<vmem>>
    %dma_start3A_341 = tpu.memref_squeeze %dma_start3A_340 : memref<1x128x128xf32, #tpu.memory_space<vmem>> -> memref<128x128xf32, #tpu.memory_space<vmem>>
    %dma_start3A_342 = arith.constant 0 : i32
    %dma_start3A_343 = tpu.memref_slice %arg4[%add3A_336, %dma_start3A_342] : memref<16384x128xf32, #tpu.memory_space<hbm>> -> memref<128x128xf32, #tpu.memory_space<hbm>>
    %dma_start3A_344 = arith.constant 0 : i32
    %dma_start3A_345 = tpu.memref_slice %arg4[%add3A_336, %dma_start3A_344] : memref<16384x128xf32, #tpu.memory_space<hbm>> -> memref<128x128xf32, #tpu.memory_space<hbm>>
    %dma_start3A_346 = arith.constant 0 : i32
    %dma_start3A_347 = arith.constant 0 : i32
    %dma_start3A_348 = tpu.memref_slice %arg11[%dma_start3A_337, %dma_start3A_346, %dma_start3A_347] : memref<2x128x128xf32, #tpu.memory_space<vmem>> -> memref<1x128x128xf32, #tpu.memory_space<vmem>>
    %dma_start3A_349 = tpu.memref_squeeze %dma_start3A_348 : memref<1x128x128xf32, #tpu.memory_space<vmem>> -> memref<128x128xf32, #tpu.memory_space<vmem>>
    tpu.enqueue_dma source(%dma_start3A_349 : memref<128x128xf32, #tpu.memory_space<vmem>>) target(%dma_start3A_345 : memref<128x128xf32, #tpu.memory_space<hbm>>) target_semaphore(%arg16 : memref<!tpu.dma_semaphore, #tpu.memory_space<semaphore_mem>>)
    %dma_wait3A_350 = arith.constant 0 : i32
    %dma_wait3A_351 = arith.constant 0 : i32
    %dma_wait3A_352 = arith.constant 0 : i32
    %dma_wait3A_353 = tpu.memref_slice %arg11[%dma_wait3A_350, %dma_wait3A_351, %dma_wait3A_352] : memref<2x128x128xf32, #tpu.memory_space<vmem>> -> memref<1x128x128xf32, #tpu.memory_space<vmem>>
    %dma_wait3A_354 = tpu.memref_squeeze %dma_wait3A_353 : memref<1x128x128xf32, #tpu.memory_space<vmem>> -> memref<128x128xf32, #tpu.memory_space<vmem>>
    %dma_wait3A_355 = arith.constant 0 : i32
    %dma_wait3A_356 = tpu.memref_slice %arg4[%add3A_308, %dma_wait3A_355] : memref<16384x128xf32, #tpu.memory_space<hbm>> -> memref<128x128xf32, #tpu.memory_space<hbm>>
    %dma_wait3A_357 = arith.constant 0 : i32
    %dma_wait3A_358 = tpu.memref_slice %arg4[%add3A_308, %dma_wait3A_357] : memref<16384x128xf32, #tpu.memory_space<hbm>> -> memref<128x128xf32, #tpu.memory_space<hbm>>
    %dma_wait3A_359 = arith.constant 0 : i32
    %dma_wait3A_360 = arith.constant 0 : i32
    %dma_wait3A_361 = tpu.memref_slice %arg11[%dma_wait3A_350, %dma_wait3A_359, %dma_wait3A_360] : memref<2x128x128xf32, #tpu.memory_space<vmem>> -> memref<1x128x128xf32, #tpu.memory_space<vmem>>
    %dma_wait3A_362 = tpu.memref_squeeze %dma_wait3A_361 : memref<1x128x128xf32, #tpu.memory_space<vmem>> -> memref<128x128xf32, #tpu.memory_space<vmem>>
    tpu.wait_dma2 semaphore(%arg15 : memref<!tpu.dma_semaphore, #tpu.memory_space<semaphore_mem>>) src(%dma_wait3A_362 : memref<128x128xf32, #tpu.memory_space<vmem>>) dst(%dma_wait3A_358 : memref<128x128xf32, #tpu.memory_space<hbm>>)
    %dma_wait3A_363 = arith.constant 1 : i32
    %dma_wait3A_364 = arith.constant 0 : i32
    %dma_wait3A_365 = arith.constant 0 : i32
    %dma_wait3A_366 = tpu.memref_slice %arg11[%dma_wait3A_363, %dma_wait3A_364, %dma_wait3A_365] : memref<2x128x128xf32, #tpu.memory_space<vmem>> -> memref<1x128x128xf32, #tpu.memory_space<vmem>>
    %dma_wait3A_367 = tpu.memref_squeeze %dma_wait3A_366 : memref<1x128x128xf32, #tpu.memory_space<vmem>> -> memref<128x128xf32, #tpu.memory_space<vmem>>
    %dma_wait3A_368 = arith.constant 0 : i32
    %dma_wait3A_369 = tpu.memref_slice %arg4[%add3A_336, %dma_wait3A_368] : memref<16384x128xf32, #tpu.memory_space<hbm>> -> memref<128x128xf32, #tpu.memory_space<hbm>>
    %dma_wait3A_370 = arith.constant 0 : i32
    %dma_wait3A_371 = tpu.memref_slice %arg4[%add3A_336, %dma_wait3A_370] : memref<16384x128xf32, #tpu.memory_space<hbm>> -> memref<128x128xf32, #tpu.memory_space<hbm>>
    %dma_wait3A_372 = arith.constant 0 : i32
    %dma_wait3A_373 = arith.constant 0 : i32
    %dma_wait3A_374 = tpu.memref_slice %arg11[%dma_wait3A_363, %dma_wait3A_372, %dma_wait3A_373] : memref<2x128x128xf32, #tpu.memory_space<vmem>> -> memref<1x128x128xf32, #tpu.memory_space<vmem>>
    %dma_wait3A_375 = tpu.memref_squeeze %dma_wait3A_374 : memref<1x128x128xf32, #tpu.memory_space<vmem>> -> memref<128x128xf32, #tpu.memory_space<vmem>>
    tpu.wait_dma2 semaphore(%arg16 : memref<!tpu.dma_semaphore, #tpu.memory_space<semaphore_mem>>) src(%dma_wait3A_375 : memref<128x128xf32, #tpu.memory_space<vmem>>) dst(%dma_wait3A_371 : memref<128x128xf32, #tpu.memory_space<hbm>>)
    %dma_wait3A_376 = arith.constant 0 : i32
    %dma_wait3A_377 = tpu.memref_slice %arg8[%dma_wait3A_376] : memref<272xi32, #tpu.memory_space<vmem>> -> memref<32xi32, #tpu.memory_space<vmem>>
    %dma_wait3A_378 = arith.constant 0 : i32
    %dma_wait3A_379 = arith.constant 0 : i32
    %dma_wait3A_380 = tpu.memref_slice %arg3[%dma_wait3A_378, %dma_wait3A_379] : memref<16384x128xf32, #tpu.memory_space<hbm>> -> memref<16384x128xf32, #tpu.memory_space<hbm>>
    tpu.wait_indirect_dma semaphore(%arg17 : memref<!tpu.dma_semaphore, #tpu.memory_space<semaphore_mem>>) src(%dma_wait3A_380 : memref<16384x128xf32, #tpu.memory_space<hbm>>) dst(%arg10 : memref<32x128xf32, #tpu.memory_space<vmem>>)
    %barrier3A = arith.constant 0 : index
    tpu.barrier barrier_id(%barrier3A)
    %gt3A = arith.constant 0 : i32
    %gt3A_381 = arith.cmpi sgt, %scan3A_169#0, %gt3A : i32
    %convert_element_type3A = arith.extui %gt3A_381 : i1 to i32
    %cond3A = arith.constant 0 : i32
    %cond3A_382 = arith.cmpi ne, %convert_element_type3A, %cond3A : i32
    scf.if %cond3A_382 {
      %dma_start3A_390 = arith.constant 0 : i32
      %dma_start3A_391 = arith.constant 0 : i32
      %dma_start3A_392 = tpu.memref_slice %arg9[%dma_start3A_390, %dma_start3A_391] : memref<8x32xi32, #tpu.memory_space<vmem>> -> memref<1x32xi32, #tpu.memory_space<vmem>>
      %dma_start3A_393 = tpu.memref_squeeze %dma_start3A_392 : memref<1x32xi32, #tpu.memory_space<vmem>> -> memref<32xi32, #tpu.memory_space<vmem>>
      %dma_start3A_394 = arith.constant 0 : i32
      %dma_start3A_395 = arith.constant 0 : i32
      %dma_start3A_396 = tpu.memref_slice %arg4[%dma_start3A_394, %dma_start3A_395] : memref<16384x128xf32, #tpu.memory_space<hbm>> -> memref<16384x128xf32, #tpu.memory_space<hbm>>
      tpu.enqueue_indirect_dma source(%arg10 : memref<32x128xf32, #tpu.memory_space<vmem>>) target(%dma_start3A_396 : memref<16384x128xf32, #tpu.memory_space<hbm>>) offsets(%dma_start3A_393 : memref<32xi32, #tpu.memory_space<vmem>>) semaphore(%arg12 : memref<!tpu.dma_semaphore, #tpu.memory_space<semaphore_mem>>)
      %dma_wait3A_397 = arith.constant 0 : i32
      %dma_wait3A_398 = arith.constant 0 : i32
      %dma_wait3A_399 = tpu.memref_slice %arg9[%dma_wait3A_397, %dma_wait3A_398] : memref<8x32xi32, #tpu.memory_space<vmem>> -> memref<1x32xi32, #tpu.memory_space<vmem>>
      %dma_wait3A_400 = tpu.memref_squeeze %dma_wait3A_399 : memref<1x32xi32, #tpu.memory_space<vmem>> -> memref<32xi32, #tpu.memory_space<vmem>>
      %dma_wait3A_401 = arith.constant 0 : i32
      %dma_wait3A_402 = arith.constant 0 : i32
      %dma_wait3A_403 = tpu.memref_slice %arg4[%dma_wait3A_401, %dma_wait3A_402] : memref<16384x128xf32, #tpu.memory_space<hbm>> -> memref<16384x128xf32, #tpu.memory_space<hbm>>
      tpu.wait_indirect_dma semaphore(%arg12 : memref<!tpu.dma_semaphore, #tpu.memory_space<semaphore_mem>>) src(%arg10 : memref<32x128xf32, #tpu.memory_space<vmem>>) dst(%dma_wait3A_403 : memref<16384x128xf32, #tpu.memory_space<hbm>>)
    } else {
    }
    %scan3A_383 = arith.constant 0 : i32
    %scan3A_384 = arith.constant 1 : i32
    %scan3A_385 = arith.constant 7 : i32
    %scan3A_386 = arith.addi %scan3A_384, %scan3A_385 : i32
    %scan3A_387 = arith.constant 1 : i32
    %scan3A_388 = scf.for %scan3A_390 = %scan3A_384 to %scan3A_386 step %scan3A_387 iter_args(%scan3A_391 = %scan3A_383) -> (i32)  : i32 {
      %mul3A_392 = arith.constant 32 : i32
      %mul3A_393 = arith.muli %scan3A_390, %mul3A_392 : i32
      %lt3A_394 = arith.cmpi slt, %mul3A_393, %scan3A_169#0 : i32
      %convert_element_type3A_395 = arith.extui %lt3A_394 : i1 to i32
      %cond3A_396 = arith.constant 0 : i32
      %cond3A_397 = arith.cmpi ne, %convert_element_type3A_395, %cond3A_396 : i32
      scf.if %cond3A_397 {
        %mul3A_399 = arith.constant 32 : i32
        %mul3A_400 = arith.muli %scan3A_390, %mul3A_399 : i32
        %dma_start3A_401 = tpu.memref_slice %arg8[%mul3A_400] : memref<272xi32, #tpu.memory_space<vmem>> -> memref<32xi32, #tpu.memory_space<vmem>>
        %dma_start3A_402 = arith.constant 0 : i32
        %dma_start3A_403 = arith.constant 0 : i32
        %dma_start3A_404 = tpu.memref_slice %arg3[%dma_start3A_402, %dma_start3A_403] : memref<16384x128xf32, #tpu.memory_space<hbm>> -> memref<16384x128xf32, #tpu.memory_space<hbm>>
        tpu.enqueue_indirect_dma source(%dma_start3A_404 : memref<16384x128xf32, #tpu.memory_space<hbm>>) target(%arg10 : memref<32x128xf32, #tpu.memory_space<vmem>>) offsets(%dma_start3A_401 : memref<32xi32, #tpu.memory_space<vmem>>) semaphore(%arg12 : memref<!tpu.dma_semaphore, #tpu.memory_space<semaphore_mem>>)
        %dma_wait3A_405 = tpu.memref_slice %arg8[%mul3A_400] : memref<272xi32, #tpu.memory_space<vmem>> -> memref<32xi32, #tpu.memory_space<vmem>>
        %dma_wait3A_406 = arith.constant 0 : i32
        %dma_wait3A_407 = arith.constant 0 : i32
        %dma_wait3A_408 = tpu.memref_slice %arg3[%dma_wait3A_406, %dma_wait3A_407] : memref<16384x128xf32, #tpu.memory_space<hbm>> -> memref<16384x128xf32, #tpu.memory_space<hbm>>
        tpu.wait_indirect_dma semaphore(%arg12 : memref<!tpu.dma_semaphore, #tpu.memory_space<semaphore_mem>>) src(%dma_wait3A_408 : memref<16384x128xf32, #tpu.memory_space<hbm>>) dst(%arg10 : memref<32x128xf32, #tpu.memory_space<vmem>>)
        %dma_start3A_409 = arith.constant 0 : i32
        %dma_start3A_410 = tpu.memref_slice %arg9[%scan3A_390, %dma_start3A_409] : memref<8x32xi32, #tpu.memory_space<vmem>> -> memref<1x32xi32, #tpu.memory_space<vmem>>
        %dma_start3A_411 = tpu.memref_squeeze %dma_start3A_410 : memref<1x32xi32, #tpu.memory_space<vmem>> -> memref<32xi32, #tpu.memory_space<vmem>>
        %dma_start3A_412 = arith.constant 0 : i32
        %dma_start3A_413 = arith.constant 0 : i32
        %dma_start3A_414 = tpu.memref_slice %arg4[%dma_start3A_412, %dma_start3A_413] : memref<16384x128xf32, #tpu.memory_space<hbm>> -> memref<16384x128xf32, #tpu.memory_space<hbm>>
        tpu.enqueue_indirect_dma source(%arg10 : memref<32x128xf32, #tpu.memory_space<vmem>>) target(%dma_start3A_414 : memref<16384x128xf32, #tpu.memory_space<hbm>>) offsets(%dma_start3A_411 : memref<32xi32, #tpu.memory_space<vmem>>) semaphore(%arg12 : memref<!tpu.dma_semaphore, #tpu.memory_space<semaphore_mem>>)
        %dma_wait3A_415 = arith.constant 0 : i32
        %dma_wait3A_416 = tpu.memref_slice %arg9[%scan3A_390, %dma_wait3A_415] : memref<8x32xi32, #tpu.memory_space<vmem>> -> memref<1x32xi32, #tpu.memory_space<vmem>>
        %dma_wait3A_417 = tpu.memref_squeeze %dma_wait3A_416 : memref<1x32xi32, #tpu.memory_space<vmem>> -> memref<32xi32, #tpu.memory_space<vmem>>
        %dma_wait3A_418 = arith.constant 0 : i32
        %dma_wait3A_419 = arith.constant 0 : i32
        %dma_wait3A_420 = tpu.memref_slice %arg4[%dma_wait3A_418, %dma_wait3A_419] : memref<16384x128xf32, #tpu.memory_space<hbm>> -> memref<16384x128xf32, #tpu.memory_space<hbm>>
        tpu.wait_indirect_dma semaphore(%arg12 : memref<!tpu.dma_semaphore, #tpu.memory_space<semaphore_mem>>) src(%arg10 : memref<32x128xf32, #tpu.memory_space<vmem>>) dst(%dma_wait3A_420 : memref<16384x128xf32, #tpu.memory_space<hbm>>)
      } else {
      }
      %scan3A_398 = arith.constant 0 : i32
      scf.yield %scan3A_398 : i32
    }
    %scan3A_389 = arith.constant 7 : i32
    return
  }
}

</mosaic_0001>

<sc_bundles>
// kernel: kernel.3.cloned.1.call-start
scs
__scs_entry_jumppad:
0x0: {  	(pc) =	sbr.rel $0x88, $3  }
0x1: {  	(tag) =	ssettag $0x0;
	lr =	simm.s32 $0x1  }
0x2: {  	[smem:$0x3F9F] =	sst lr;
	_ =	strace $0xD0000000  }
0x3: {  	_ = 	snop  }
0x4: {  	_ = 	snop  }
0x5: {  	_ = 	snop  }
0x6: {  	_ = 	snop  }
0x7: {  	_ = 	snop  }
__scs_overlays_trampoline_lowered:
0x8: {  	[smem:$0x3FAE] =	sst s0  }
0x9: {  	[smem:$0x3FAF] =	sst s1  }
0xa: {  	[smem:$0x3FB0] =	sst s2  }
0xb: {  	[smem:$0x3FB1] =	sst s3  }
0xc: {  	[smem:$0x3FB2] =	sst s4  }
0xd: {  	[smem:$0x3FB3] =	sst s5  }
0xe: {  	[smem:$0x3FB4] =	sst s6  }
0xf: {  	[smem:$0x3FB5] =	sst s7  }
0x10: {  	[smem:$0x3FB6] =	sst s8  }
0x11: {  	[smem:$0x3FB7] =	sst s9;
	s0 =	simm.s32 @!p0 $0x0  }
0x12: {  	s1 =	sld [smem:$0x3F9D];
	s0 =	simm.s32 @p0 $0x1  }
0x13: {  	[smem:$0x3FB8] =	sst s0;
	s0 =	simm.s32 @!p1 $0x0  }
0x14: {  	s2 =	sld [smem:$0x3F9C];
	s0 =	simm.s32 @p1 $0x1  }
0x15: {  	[smem:$0x3FB9] =	sst s0;
	s0 =	simm.s32 @!p2 $0x0  }
0x16: {  	s3 =	sld [smem:$0x3FDB];
	s0 =	simm.s32 @p2 $0x1  }
0x17: {  	s4 =	simm.s32 $0x1BF5;
	[smem:$0x3FBB] =	sst s0  }
0x18: {  	s0 =	sld [smem:$0x3F9E];
	_ =	swait.ge [sflag:s4], $0x0  }
0x19: {  	s7 =	sld [smem:$0x3F9F]  }
0x1a: {  	s8 =	sadd.s32 $0xFFFFE003, lr  }
0x1b: {  	s9 =	sadd.s32 $0xFFFFFEF7, lr;
	s5 =	simm.s32 $0xFFFFFFFF;
	p2 =	slt.u32 s8, $0xFFFFF086  }
0x1c: {  	p1 =	slt.u32 s9, $0xF7A;
	s5 =	simm.s32 @!p2 $0x0  }
0x1d: {  	s5 =	simm.s32 @p1 $0x1;
	p0 =	seq.s32 s7, s2  }
0x1e: {  	s7 =	smul.u32 @!p0 $0xF7A, s2;
	p2 =	seq.s32 @!p0 s5, $0x0  }
0x1f: {  	s9 =	smul.u32 $0xF7A, s1;
	s8 =	simm.s32 @!p0 $0x1BF5;
	p2 =	por !p2, p0  }
0x20: {  	[sflag:s8] =	ssyncset.s32 @!p0 $0xFFFFF086;
	s6 =	sadd.s32 @!p0 s3, s7;
	s7 =	simm.s32 @!p0 $0x108  }
0x21: {  	s3 =	sadd.s32 s3, s9;
	s6 =	sadd.s32 @!p0 $0x88, s6;
	s7 =	simm.s32 @p2 $0x1082  }
0x22: {  	[simem:s7], [sflag:s8] =	dma.local @!p0 [hbm:s6], $0xF7A  }
0x23: {  	s9 =	sor.u32 $0xD0000000, s2;
	s6 =	simm.s32 $0x108;
	_ =	swait.ge @!p0 [sflag:s8], $0x0  }
0x24: {  	s3 =	sadd.s32 $0x88, s3;
	s6 =	simm.s32 @!p1 $0x1082;
	[sflag:s4] =	ssyncset.s32 $0xFFFFF086  }
0x25: {  	[simem:s6], [sflag:s4] =	dma.local [hbm:s3], $0xF7A  }
0x26: {  	[smem:$0x3F9F] =	sst s1;
	(tag) =	ssettag s2;
	_ =	strace s9  }
0x27: {  	s1 =	sld [smem:$0x3FAF]  }
0x28: {  	s2 =	sld [smem:$0x3FB0]  }
0x29: {  	s4 =	sld [smem:$0x3FB2]  }
0x2a: {  	p0 =	seq.s32 s5, $0x0;
	s5 =	sld [smem:$0x3FB3]  }
0x2b: {  	s6 =	sld [smem:$0x3FB4]  }
0x2c: {  	s7 =	sld [smem:$0x3FB5]  }
0x2d: {  	s3 =	simm.s32 $0x108;
	s8 =	sld [smem:$0x3FB6]  }
0x2e: {  	s3 =	simm.s32 @!p0 $0x1082;
	s9 =	sld [smem:$0x3FB7]  }
0x2f: {  	lr =	sadd.s32 s0, s3;
	s0 =	sld [smem:$0x3FAE]  }
0x30: {  	s3 =	sld [smem:$0x3FB1]  }
0x31: {  	[smem:$0x3FBA] =	sst s10  }
0x32: {  	s10 =	sld [smem:$0x3FB8];
	_ =	sdelay $0x3  }
0x33: {  	p0 =	seq.s32 s10, $0x1;
	s10 =	sld [smem:$0x3FBA];
	_ =	sdelay $0x3  }
0x34: {  	[smem:$0x3FBA] =	sst s10  }
0x35: {  	s10 =	sld [smem:$0x3FB9];
	_ =	sdelay $0x3  }
0x36: {  	p1 =	seq.s32 s10, $0x1;
	s10 =	sld [smem:$0x3FBA];
	_ =	sdelay $0x3  }
0x37: {  	[smem:$0x3FBA] =	sst s10  }
0x38: {  	s10 =	sld [smem:$0x3FBB]  }
0x39: {  	_ = 	snop;
	(pc) =	sbr.ind lr, $3  }
0x3a: {  	_ = 	snop  }
0x3b: {  	_ = 	snop  }
0x3c: {  	p2 =	seq.s32 s10, $0x1;
	s10 =	sld [smem:$0x3FBA]  }
0x3d: {  	_ =	shalt  }
0x3e: {  	_ =	shalt  }
0x3f: {  	_ =	shalt  }
0x40: {  	_ =	shalt  }
0x41: {  	_ =	shalt  }
0x42: {  	_ =	shalt  }
0x43: {  	_ =	shalt  }
0x44: {  	_ =	shalt  }
0x45: {  	_ =	shalt  }
0x46: {  	_ =	shalt  }
0x47: {  	_ =	shalt  }
0x48: {  	_ =	shalt  }
0x49: {  	_ =	shalt  }
0x4a: {  	_ =	shalt  }
0x4b: {  	_ =	shalt  }
0x4c: {  	_ =	shalt  }
0x4d: {  	_ =	shalt  }
0x4e: {  	_ =	shalt  }
0x4f: {  	_ =	shalt  }
0x50: {  	_ =	shalt  }
0x51: {  	_ =	shalt  }
0x52: {  	_ =	shalt  }
0x53: {  	_ =	shalt  }
0x54: {  	_ =	shalt  }
0x55: {  	_ =	shalt  }
0x56: {  	_ =	shalt  }
0x57: {  	_ =	shalt  }
0x58: {  	_ =	shalt  }
0x59: {  	_ =	shalt  }
0x5a: {  	_ =	shalt  }
0x5b: {  	_ =	shalt  }
0x5c: {  	_ =	shalt  }
0x5d: {  	_ =	shalt  }
0x5e: {  	_ =	shalt  }
0x5f: {  	_ =	shalt  }
0x60: {  	_ =	shalt  }
0x61: {  	_ =	shalt  }
0x62: {  	_ =	shalt  }
0x63: {  	_ =	shalt  }
0x64: {  	_ =	shalt  }
0x65: {  	_ =	shalt  }
0x66: {  	_ =	shalt  }
0x67: {  	_ =	shalt  }
0x68: {  	_ =	shalt  }
0x69: {  	_ =	shalt  }
0x6a: {  	_ =	shalt  }
0x6b: {  	_ =	shalt  }
0x6c: {  	_ =	shalt  }
0x6d: {  	_ =	shalt  }
0x6e: {  	_ =	shalt  }
0x6f: {  	_ =	shalt  }
0x70: {  	_ =	shalt  }
0x71: {  	_ =	shalt  }
0x72: {  	_ =	shalt  }
0x73: {  	_ =	shalt  }
0x74: {  	_ =	shalt  }
0x75: {  	_ =	shalt  }
0x76: {  	_ =	shalt  }
0x77: {  	_ =	shalt  }
0x78: {  	_ =	shalt  }
0x79: {  	_ =	shalt  }
0x7a: {  	_ =	shalt  }
0x7b: {  	_ =	shalt  }
0x7c: {  	_ =	shalt  }
0x7d: {  	_ =	shalt  }
0x7e: {  	_ =	shalt  }
0x7f: {  	_ =	shalt  }
0x80: {  	_ =	shalt  }
0x81: {  	_ =	shalt  }
0x82: {  	_ =	shalt  }
0x83: {  	_ =	shalt  }
0x84: {  	_ =	shalt  }
0x85: {  	_ =	shalt  }
0x86: {  	_ =	shalt  }
0x87: {  	_ =	shalt  }
.Lfunc_end0:
.L_simem_size_0:
called_computation_lowered:
.L_overlay_start_0:
0x88: {  	s2 =	sld [smem:$0x3FD9]  }
0x89: {  	s3 =	sld [smem:$0x3FFE];
	_ =	sdelay $0x1  }
0x8a: {  	s1 =	srdreg.scid  }
0x8b: {  	s0 =	sand.u32 $0x1, s1  }
0x8c: {  	s18 =	sshll.u32 s0, $0xA;
	s2 =	sadd.s32 s3, s2  }
0x8d: {  	s2 =	sadd.s32 s2, s18  }
0x8e: {  	[smem:$0x3FC6] =	sst s2  }
0x8f: {  	_ = 	snop  }
0x90: {  	s2 =	sld [smem:$0x3FC9]  }
0x91: {  	s19 =	sld [smem:$0x3FC8]  }
0x92: {  	s4 =	sld [smem:$0x3FD0];
	(tm) =	ssettm $0x1  }
0x93: {  	s5 =	sld [smem:$0x3FFB];
	_ =	sdelay $0x3  }
0x94: {  	_ =	strace s5  }
0x95: {  	s5 =	sld [smem:$0x3FFC];
	_ =	sdelay $0x3  }
0x96: {  	_ =	strace s5  }
0x97: {  	s5 =	sld [smem:$0x3FFD];
	_ =	sdelay $0x3  }
0x98: {  	_ =	strace s5  }
0x99: {  	_ =	strace $0x8FFFFFFF  }
0x9a: {  	s20 =	sld [smem:$0x3FDB];
	_ =	sdelay $0x1  }
0x9b: {  	s6 =	simm.s32 $_scs_section_size  }
0x9c: {  	s7 =	simm.s32 $_size__tile_overlayer_lowered;
	s8 =	simm.s32 $_tile_overlayer_lowered  }
0x9d: {  	s23 =	simm.s32 $0x1BFF;
	s22 =	sshll.u32 s8, $0x1;
	s5 =	sadd.s32 s6, s20  }
0x9e: {  	s9 =	simm.s32 $0x0;
	s21 =	sshll.u32 s7, $0x1;
	s7 =	sadd.s32 s22, s5  }
0x9f: {  	[timem:s9], [sflag:s23] =	dma.local [hbm:s7], s21  }
0xa0: {  	_ =	swait.ge [sflag:s23], s21  }
0xa1: {  	s6 =	ssub.s32 $0x0, s21;
	[sflag:s23] =	ssyncset.done $0x0  }
0xa2: {  	[sflag:s23] =	ssyncadd.s32 s6;
	_ =	sdelay $0x1  }
0xa3: {  	s24 =	simm.s32 $0x1B8B  }
0xa4: {  	_ =	swait.ge [sflag:s24], $0x1  }
0xa5: {  	[sflag:s24] =	ssyncset.done $0x0  }
0xa6: {  	s25 =	simm.s32 $0x1B8E;
	[sflag:s24] =	ssyncadd.s32 $0xFFFFFFFF  }
0xa7: {  	s26 =	simm.s32 $execute0_lowered;
	[smem:$0x3FD2] =	sst s25  }
0xa8: {  	s6 =	sshll.u32 s26, $0x1;
	_ =	strace $0x80000046;
	[dreg:$0x1] =	wrdreg $0xFFFFFFFF  }
0xa9: {  	s28 =	simm.s32 $_size_execute0_lowered;
	s5 =	sadd.s32 s5, s6;
	[dreg:$0x0] =	wrdreg $0x0  }
0xaa: {  	s6 =	sshll.u32 s28, $0x1;
	[dreg:$0x2] =	wrdreg s5  }
0xab: {  	[dreg:$0x3] =	wrdreg s6  }
0xac: {  	[dreg:$0x4] =	wrdreg $0xC0  }
0xad: {  	_ =	task [dreg:s9], $0x5FFFF  }
0xae: {  	[dreg:$0x1] =	wrdreg $0xFFFFFFFF  }
0xaf: {  	[dreg:$0x0] =	wrdreg $0x60  }
0xb0: {  	[dreg:$0x2] =	wrdreg s2  }
0xb1: {  	[dreg:$0x3] =	wrdreg s19  }
0xb2: {  	[dreg:$0x4] =	wrdreg s4  }
0xb3: {  	[dreg:$0x5] =	wrdreg $0x9  }
0xb4: {  	_ =	task.clear_ibuf [dreg:s9], $0x6FFFF;
	_ =	strace $0x90000046  }
0xb5: {  	s29 =	simm.s32 $0x9;
	_ =	strace $0x80000048  }
0xb6: {  	_ =	swait.ge [sflag:s29], $0x1  }
0xb7: {  	[sflag:s29] =	ssyncadd.s32 $0xFFFFFFFF  }
0xb8: {  	_ =	strace $0x90000048  }
0xb9: {  	_ =	sfence  }
0xba: {  	s30 =	sld [smem:$0x0];
	_ =	sdelay $0x2  }
0xbb: {  	s31 =	sshll.u32 s1, $0xD;
	s1 =	sshrl.u32 s1, $0x2  }
0xbc: {  	s3 =	sand.u32 $0x4000, s31;
	s1 =	sadd.s32 s1, s30  }
0xbd: {  	s0 =	sor.u32 s3, s0;
	s1 =	sshll.u32 s1, $0x11  }
0xbe: {  	s0 =	sor.u32 s1, s0  }
0xbf: {  	s0 =	sadd.s32 $0x8F2B, s0  }
0xc0: {  	[sflag:s0] =	ssyncadd.remote.s32 $0x1  }
0xc1: {  	_ =	sfence.sel $0xFFFF  }
0xc2: {  	[dreg:$0x0] =	wrdreg $0xFFFFFFFF;
	(pc) =	sbr.abs _section_cstart, $3  }
0xc3: {  	[dreg:$0x1] =	wrdreg $0xFFFFFFFF  }
0xc4: {  	_ =	task.clear_ibuf [dreg:s9], $0x2FFFF;
	_ =	strace $0x9FFFFFFF  }
0xc5: {  	(tm) =	ssettm $0x7FFFFFFF  }
tec
execute0_lowered:
.L_overlay_start_1:
0x0: {  	(tag) =	ssettag $0x1  }
0x1: {  	s2 =	rddreg [dreg:$0x1]  }
0x2: {  	s3 =	rddreg [dreg:$0x2];
	s0 =	srdreg.scid  }
0x3: {  	s5 =	simm.s32 $0x0;
	s8 =	stileid.u32;
	s17 =	simm.s32 $0x14C00  }
0x4: {  	s18 =	simm.s32 $0x18C00;
	s19 =	simm.s32 $0x1;
	s20 =	simm.s32 $0x4080  }
0x5: {  	s21 =	simm.s32 $0x20;
	s28 =	simm.s32 $0x5;
	s29 =	simm.s32 $0x6  }
0x6: {  	s0 =	sand.u32 $0x1, s0;
	[smem:$0x7FF] =	sst s5;
	s6 =	sshll.u32 s8, $0xD  }
0x7: {  	s23 =	smul.u32 $0xF424, s8;
	s1 =	ssub.s32 $0x2, s0;
	s7 =	sshll.u32 s0, $0x11  }
0x8: {  	_ =	strace $0x80000047;
	s4 =	sshrl.u32 s1, $0x1;
	s22 =	sor.u32 s7, s6  }
0x9: {  	v0 =	vimm.s32 $0xFFEDCBA9;
	v1 =	vimm.s32 $0x87654321;
	s6 =	sshll.u32 s0, $0xD;
	s0 =	simm.s32 $0x0;
	s1 =	ssub.s32 s1, s4  }
0xa: {  	v0 =	vunpack.c.l.s4.s8 v0;
	v1 =	vunpack.c.l.s4.s8 v1;
	s24 =	sor.u32 $0x800, s22;
	s25 =	sadd.s32 s2, s22;
	s30 =	sadd.s32 s3, s22  }
0xb: {  	s31 =	sor.u32 $0x1000, s22;
	s4 =	sor.u32 $0x1800, s22;
	s16 =	sor.u32 $0x10, s6  }
.Ltmp0:
0xc: {  	v0 =	vunpack.c.0.s8.s32 v0;
	v1 =	vunpack.c.0.s8.s32 v1;
	[dreg:$0x4] =	wrdreg s25;
	s26 =	sadd.s32 s2, s24;
	(pc) =	sbr.rel .LBB2_1-.Ltmp0, $4  }
0xd: {  	[dreg:$0x6] =	wrdreg s30;
	s10 =	sadd.s32 s3, s24;
	s11 =	sadd.s32 s2, s31  }
0xe: {  	vm0 =	vcmask $0x3F3C;
	v5 =	vimm.s32 $0x0;
	s12 =	sadd.s32 s2, s4;
	s13 =	sadd.s32 s3, s31;
	s14 =	sadd.s32 s3, s4;
	v4 =	vcombine.low v1, v0  }
0xf: {  	v2 =	vmov s6;
	s15 =	smax.u32 s1, $0x1;
	v0 =	vmov s23;
	v1 =	vlaneseq.u32;
	s23 =	simm.s32 $0x13C00;
	s24 =	simm.s32 $0x2  }
0x10: {  	s25 =	simm.s32 $0x3;
	v6 =	vmov s16;
	[dreg:$0x5] =	wrdreg s26;
	v3 =	vor.u32 $0x80000000, v1;
	s26 =	simm.s32 $0x4;
	v4 =	vand.u32 $0xF, v4  }
.LBB2_9:
0x11: {  	s0 =	sadd.s32 $0x1, s0  }
0x12: {  	p0 =	sne.s32 s0, s15  }
.Ltmp1:
0x13: {  	_ = 	snop;
	(pc) =	sbr.rel @!p0 .LBB2_10-.Ltmp1, $1  }
0x14: {  	_ =	sdelay $0x3  }
.LBB2_1:
0x15: {  	s1 =	rddreg [dreg:$0x0]  }
0x16: {  	[tilespmem:s5], [sflag:$0x1] =	stream.linear.gather [hbm4b:s1+s5], $0x4000, $0x38;
	[tilespmem:$0x1CC00] =	vst v63  }
0x17: {  	s8 =	rddreg [dreg:$0x4]  }
0x18: {  	[tilespmem:s17], [sflag:$0x2] =	stream.linear.gather [hbm4b:s8+s5], $0x4000, $0x38;
	[tilespmem:$0x1CC00] =	vst v63  }
0x19: {  	s9 =	rddreg [dreg:$0x5]  }
0x1a: {  	[tilespmem:s18], [sflag:$0x3] =	stream.linear.gather [hbm4b:s9+s5], $0x4000, $0x38;
	[tilespmem:$0x1CC00] =	vst v63  }
0x1b: {  	_ =	swait.ge [sflag:s19], $0x4000  }
0x1c: {  	[sflag:s19] =	ssyncset.done $0x0  }
0x1d: {  	[sflag:s19] =	ssyncadd.s32 $0xFFFFC000  }
0x1e: {  	v7 =	vld [tilespmem:$0x0];
	_ =	sdelay $0x4  }
0x1f: {  	v7 =	vshll.u32 v7, $0x4  }
0x20: {  	v7 =	vxor.u32 v3, v7  }
0x21: {  	(xrf1) =	vsort.ascd.msk.u32 $0xffff, v7, v1;
	_ =	sdelay $0x7  }
0x22: {  	v7 =	vld [tilespmem:$0x10];
	_ =	sdelay $0x4  }
0x23: {  	v7 =	vshll.u32 v7, $0x4  }
0x24: {  	v7 =	vxor.u32 v3, v7;
	v8, _, _ =	vpop (xrf1)  }
0x25: {  	(xrf1) =	vsort.ascd.msk.u32 $0xffff, v7, v1;
	v9 =	vxor.u32 $0x80000000, v8  }
0x26: {  	v7 =	vperm.xlane v9, v4;
	_ =	sdelay $0x1  }
0x27: {  	v9 =	vshra.s32 v9, $0x4;
	v7 =	vshra.s32 v7, $0x4  }
0x28: {  	s4 =	simm.s32 $0x30;
	vm1 =	vne.s32 v9, v7;
	v7 =	vsub.s32 v9, v0  }
0x29: {  	v9 =	vld [tilespmem:s4+$0xFFFFFFF0];
	vm1 =	vmor vm1, vm0;
	vm2 =	vlt.u32 v7, $0xF424;
	vm3 =	vgt.s32 v7, $0x0  }
0x2a: {  	v7 =	vnsel vm3, $0x0, v7;
	vm1 =	vmand vm1, vm2  }
0x2b: {  	v7 =	vmin.u32 v7, $0xF423;
	_ =	sdelay $0x2  }
0x2c: {  	v8 =	vand.u32 $0xF, v8;
	v9 =	vshll.u32 v9, $0x4  }
0x2d: {  	v8 =	vadd.s32 $0x1, v8;
	v9 =	vxor.u32 v3, v9  }
0x2e: {  	(xrf1) =	vsort.ascd.msk.u32 $0xffff, v9, v1;
	[tilespmem:v7+s20+$0x0] =	vst.idx.msk vm1, v8  }
0x2f: {  	v7 =	vld [tilespmem:s4+$0x0]  }
0x30: {  	v8, _, _ =	vpop (xrf1)  }
0x31: {  	v9 =	vxor.u32 $0x80000000, v8  }
0x32: {  	v10 =	vperm.xlane v9, v4;
	_ =	sdelay $0x1  }
0x33: {  	v9 =	vshra.s32 v9, $0x4;
	v10 =	vshra.s32 v10, $0x4;
	v7 =	vshll.u32 v7, $0x4  }
0x34: {  	vm1 =	vne.s32 v9, v10;
	v9 =	vsub.s32 v9, v0;
	v7 =	vxor.u32 v3, v7  }
0x35: {  	vm1 =	vmor vm1, vm0;
	vm2 =	vlt.u32 v9, $0xF424;
	vm3 =	vgt.s32 v9, $0x0  }
0x36: {  	(xrf1) =	vsort.ascd.msk.u32 $0xffff, v7, v1;
	v7 =	vnsel vm3, $0x0, v9;
	vm1 =	vmand vm1, vm2  }
0x37: {  	v7 =	vmin.u32 v7, $0xF423;
	_ =	sdelay $0x1  }
0x38: {  	v8 =	vand.u32 $0xF, v8  }
0x39: {  	v8 =	vor.u32 $0x10, v8  }
0x3a: {  	v8 =	vadd.s32 $0x1, v8;
	v9, _, _ =	vpop (xrf1)  }
0x3b: {  	[tilespmem:v7+s20+$0x0] =	vst.idx.msk vm1, v8;
	v7 =	vxor.u32 $0x80000000, v9  }
0x3c: {  	s30 =	simm.s32 $0x50;
	v8 =	vperm.xlane v7, v4  }
0x3d: {  	v10 =	vld [tilespmem:s30+$0xFFFFFFF0]  }
0x3e: {  	v7 =	vshra.s32 v7, $0x4;
	v8 =	vshra.s32 v8, $0x4  }
0x3f: {  	v11 =	vsub.s32 v7, v0;
	vm1 =	vne.s32 v7, v8  }
0x40: {  	vm2 =	vgt.s32 v11, $0x0;
	vm3 =	vlt.u32 v11, $0xF424;
	vm1 =	vmor vm1, vm0  }
0x41: {  	v7 =	vnsel vm2, $0x0, v11;
	vm1 =	vmand vm1, vm3  }
0x42: {  	v7 =	vmin.u32 v7, $0xF423;
	v8 =	vshll.u32 v10, $0x4  }
0x43: {  	v8 =	vxor.u32 v3, v8  }
0x44: {  	s22 =	simm.s32 $0x20;
	v9 =	vand.u32 $0xF, v9;
	v11, _, _ =	vpop (xrf1);
	(xrf1) =	vsort.ascd.msk.u32 $0xffff, v8, v1  }
0x45: {  	v9 =	vor.u32 s22, v9  }
0x46: {  	s31 =	simm.s32 $0x50;
	s1 =	simm.s32 $0x70;
	v10 =	vadd.s32 $0x1, v9;
	v9 =	vxor.u32 $0x80000000, v11;
	v8 =	vand.u32 $0xF, v11  }
.LBB2_2:
0x47: {  	p0 =	sne.s32 s1, $0x4010;
	[tilespmem:v7+s20+$0x0] =	vst.idx.msk vm1, v10;
	v7 =	vor.u32 s4, v8;
	v8 =	vperm.xlane v9, v4;
	s4 =	smov.u32 s30;
	s30 =	smov.u32 s1  }
0x48: {  	v10 =	vld [tilespmem:s31+$0x0];
	v7 =	vadd.s32 $0x1, v7  }
0x49: {  	v9 =	vshra.s32 v9, $0x4;
	v8 =	vshra.s32 v8, $0x4  }
0x4a: {  	vm1 =	vne.s32 v9, v8;
	v8 =	vsub.s32 v9, v0  }
0x4b: {  	vm1 =	vmor vm1, vm0;
	vm2 =	vlt.u32 v8, $0xF424;
	vm3 =	vgt.s32 v8, $0x0  }
0x4c: {  	v8 =	vnsel vm3, $0x0, v8;
	vm1 =	vmand vm1, vm2  }
0x4d: {  	v9 =	vshll.u32 v10, $0x4;
	v8 =	vmin.u32 v8, $0xF423  }
0x4e: {  	v9 =	vxor.u32 v3, v9  }
0x4f: {  	(xrf1) =	vsort.ascd.msk.u32 $0xffff, v9, v1;
	_ =	sdelay $0x2  }
0x50: {  	[tilespmem:v8+s20+$0x0] =	vst.idx.msk vm1, v7;
	v8, _, _ =	vpop (xrf1)  }
0x51: {  	v7 =	vxor.u32 $0x80000000, v8  }
0x52: {  	s31 =	sadd.s32 $0x20, s31;
	v9 =	vperm.xlane v7, v4  }
0x53: {  	v10 =	vld [tilespmem:s31+$0xFFFFFFF0]  }
0x54: {  	v7 =	vshra.s32 v7, $0x4;
	v9 =	vshra.s32 v9, $0x4  }
0x55: {  	vm1 =	vne.s32 v7, v9;
	v7 =	vsub.s32 v7, v0  }
0x56: {  	vm1 =	vmor vm1, vm0;
	vm2 =	vlt.u32 v7, $0xF424;
	vm3 =	vgt.s32 v7, $0x0  }
0x57: {  	v7 =	vnsel vm3, $0x0, v7;
	vm1 =	vmand vm1, vm2  }
.Ltmp2:
0x58: {  	v9 =	vshll.u32 v10, $0x4;
	v7 =	vmin.u32 v7, $0xF423;
	(pc) =	sbr.rel @p0 .LBB2_2-.Ltmp2, $4  }
0x59: {  	v9 =	vxor.u32 v3, v9  }
0x5a: {  	s7 =	sadd.s32 $0xFFFFFFF0, s4;
	v8 =	vand.u32 $0xF, v8;
	(xrf1) =	vsort.ascd.msk.u32 $0xffff, v9, v1  }
0x5b: {  	v8 =	vor.u32 s7, v8;
	v11, _, _ =	vpop (xrf1)  }
0x5c: {  	s1 =	sadd.s32 $0x20, s1;
	v10 =	vadd.s32 $0x1, v8;
	v9 =	vxor.u32 $0x80000000, v11;
	v8 =	vand.u32 $0xF, v11  }
0x5d: {  	_ =	sdelay $0x2  }
0x5e: {  	v11 =	vperm.xlane v9, v4;
	_ =	sdelay $0x1  }
0x5f: {  	v9 =	vshra.s32 v9, $0x4;
	[tilespmem:v7+s20+$0x0] =	vst.idx.msk vm1, v10;
	v11 =	vshra.s32 v11, $0x4  }
0x60: {  	v7 =	vsub.s32 v9, v0;
	vm1 =	vne.s32 v9, v11;
	v9 =	vld [tilespmem:s31+$0x0]  }
0x61: {  	vm2 =	vlt.u32 v7, $0xF424;
	vm3 =	vgt.s32 v7, $0x0;
	vm1 =	vmor vm1, vm0  }
0x62: {  	v7 =	vnsel vm3, $0x0, v7;
	vm1 =	vmand vm1, vm2  }
0x63: {  	v7 =	vmin.u32 v7, $0xF423;
	_ =	sdelay $0x1  }
0x64: {  	v9 =	vshll.u32 v9, $0x4  }
0x65: {  	v8 =	vor.u32 s4, v8;
	v9 =	vxor.u32 v3, v9  }
0x66: {  	v8 =	vadd.s32 $0x1, v8;
	(xrf1) =	vsort.ascd.msk.u32 $0xffff, v9, v1  }
0x67: {  	[tilespmem:v7+s20+$0x0] =	vst.idx.msk vm1, v8  }
0x68: {  	v7 =	vld [tilespmem:s6+$0x0];
	_ =	sdelay $0x4  }
0x69: {  	v8 =	vsub.s32 v7, v0  }
0x6a: {  	vm1 =	vgt.s32 v8, $0x0  }
0x6b: {  	v7 =	vnsel vm1, $0x0, v8  }
0x6c: {  	v7 =	vmin.u32 v7, $0xF423;
	_ =	sdelay $0x2  }
0x6d: {  	v9, _, _ =	vpop (xrf1)  }
0x6e: {  	v9, _, _ =	vpop (xrf1)  }
0x6f: {  	s30 =	simm.s32 $0x0;
	v9 =	vld.idx.msk [tilespmem:v7+s20+$0x0], $0xffff  }
0x70: {  	v7 =	vld.idx.msk [tilespmem:v6+s30+$0x0 ss:$0x1], $0xffff;
	_ =	sdelay $0x4  }
0x71: {  	v7 =	vsub.s32 v7, v0  }
0x72: {  	v11 =	vor.u32 v1, v2;
	v9 =	vadd.s32 $0xFFFFFFFF, v9;
	vm1 =	vgt.s32 v7, $0x0  }
0x73: {  	vm2 =	vne.s32 v9, v11;
	v10 =	vnsel vm1, $0x0, v7;
	vm1 =	vlt.u32 v8, $0xF424  }
0x74: {  	vm1 =	vmand vm1, vm2  }
0x75: {  	v8 =	vmpcnt.ones.xlane vm1;
	_ =	sdelay $0x1  }
0x76: {  	(v2sf) =	vpush v8, $0x0  }
0x77: {  	v10 =	vmin.u32 v10, $0xF423;
	_ =	sdelay $0x4  }
0x78: {  	s1 =	simm.s32 $0x0;
	v12 =	vld.idx.msk [tilespmem:v10+s20+$0x0], $0xffff  }
0x79: {  	[tilespmem:s1+$0x13500] =	vst.msk vm1, v11  }
0x7a: {  	s31 =	simm.s32 $0x10;
	[tilespmem:s1+$0x13680] =	vst.msk vm1, v9  }
0x7b: {  	v10 =	vld.idx.msk [tilespmem:v6+s31+$0x0 ss:$0x1], $0xffff;
	_ =	sdelay $0x1  }
0x7c: {  	s4 =	simm.s32 $0x80;
	s22 =	smov.u32 s16;
	v9 =	vor.u32 v1, v6;
	v8 =	vadd.s32 $0xFFFFFFFF, v12  }
.LBB2_4:
0x7d: {  	p0 =	seq.s32 s4, $0x7FC0;
	vm1 =	vlt.u32 v7, $0xF424;
	vm2 =	vne.s32 v8, v9  }
0x7e: {  	vm1 =	vmand vm1, vm2  }
0x7f: {  	v7 =	vsub.s32 v10, v0;
	v10 =	vmpcnt.ones.xlane vm1  }
0x80: {  	vm2 =	vgt.s32 v7, $0x0;
	s7 =	spop (v2sf)  }
0x81: {  	v11 =	vnsel vm2, $0x0, v7;
	(v2sf) =	vpush v10, $0x0;
	s1 =	sadd.s32 s1, s7  }
0x82: {  	v10 =	vmin.u32 v11, $0xF423;
	_ =	sdelay $0x4  }
0x83: {  	v11 =	vld.idx.msk [tilespmem:v10+s20+$0x0], $0xffff;
	[tilespmem:s1+$0x13500] =	vst.msk vm1, v9  }
.Ltmp3:
0x84: {  	s7 =	sshra.s32 s4, $0x2;
	[tilespmem:s1+$0x13680] =	vst.msk vm1, v8;
	(pc) =	sbr.rel @!p0 .LBB2_4-.Ltmp3, $4  }
0x85: {  	v10 =	vld.idx.msk [tilespmem:v6+s7+$0x0 ss:$0x1], $0xffff  }
0x86: {  	s22 =	sadd.s32 $0x10, s22  }
0x87: {  	v8 =	vmov s22  }
0x88: {  	s4 =	sadd.s32 $0x40, s4;
	v9 =	vor.u32 v1, v8;
	v8 =	vadd.s32 $0xFFFFFFFF, v11  }
0x89: {  	vm1 =	vlt.u32 v7, $0xF424;
	vm2 =	vne.s32 v8, v9  }
0x8a: {  	vm1 =	vmand vm1, vm2  }
0x8b: {  	v7 =	vmpcnt.ones.xlane vm1;
	_ =	sdelay $0x1  }
0x8c: {  	(v2sf) =	vpush v7, $0x0;
	_ =	sdelay $0x7  }
0x8d: {  	s4 =	spop (v2sf)  }
0x8e: {  	s1 =	sadd.s32 s1, s4  }
0x8f: {  	[tilespmem:s1+$0x13500] =	vst.msk vm1, v9  }
0x90: {  	[tilespmem:s1+$0x13680] =	vst.msk vm1, v8  }
0x91: {  	v7 =	vld [tilespmem:$0x13680];
	_ =	sdelay $0x2  }
0x92: {  	s9 =	spop (v2sf)  }
0x93: {  	v10 =	vld [tilespmem:$0x13500];
	s4 =	sadd.s32 s1, s9  }
0x94: {  	v9 =	vperm.xlane v7, v5;
	v8 =	vmov s4  }
0x95: {  	vm1 =	vgt.s32 v8, v1  }
0x96: {  	v7 =	vsel vm1, v7, v9  }
0x97: {  	vm2 =	vgt.s32 v7, $0x0  }
0x98: {  	v11 =	vnsel vm2, $0x0, v7;
	v7 =	vperm.xlane v10, v5  }
0x99: {  	v11 =	vmin.u32 v11, $0x3FFF  }
0x9a: {  	v10 =	vsel vm1, v10, v7;
	[tilespmem:$0x13680] =	vst v11  }
0x9b: {  	s7 =	simm.s32 $0x13690;
	[tilespmem:$0x13800] =	vst v10  }
0x9c: {  	v10 =	vld [tilespmem:s7+$0x0];
	_ =	sdelay $0x1  }
0x9d: {  	s30 =	simm.s32 $0x10  }
0x9e: {  	s1 =	simm.s32 $0x13510;
	v11 =	vor.u32 s30, v1  }
0x9f: {  	vm1 =	vlt.s32 v11, v8;
	v12 =	vld [tilespmem:s1+$0x0]  }
0xa0: {  	v10 =	vsel vm1, v10, v9  }
0xa1: {  	s22 =	simm.s32 $0x100;
	vm2 =	vgt.s32 v10, $0x0  }
0xa2: {  	s22 =	sand.u32 $0xE00, s22;
	v10 =	vnsel vm2, $0x0, v10  }
0xa3: {  	s31 =	sand.u32 $0x10, s30;
	s22 =	sshrl.u32 s22, $0x2;
	v10 =	vmin.u32 v10, $0x3FFF  }
0xa4: {  	s22 =	sor.u32 s31, s22;
	v11 =	vsel vm1, v12, v7;
	[tilespmem:s7+$0x0] =	vst v10  }
0xa5: {  	s31 =	simm.s32 $0x136A0;
	[tilespmem:s22+$0x13800] =	vst v11  }
0xa6: {  	v10 =	vld [tilespmem:s31+$0x0]  }
0xa7: {  	s7 =	simm.s32 $0x300;
	s22 =	simm.s32 $0x200  }
.LBB2_6:
0xa8: {  	p0 =	sne.s32 s7, $0xF00;
	s30 =	sadd.s32 $0x10, s30  }
0xa9: {  	s1 =	sadd.s32 $0x10, s1;
	v11 =	vor.u32 s30, v1  }
0xaa: {  	v12 =	vld [tilespmem:s1+$0x0];
	vm1 =	vlt.s32 v11, v8  }
0xab: {  	v10 =	vsel vm1, v10, v9  }
0xac: {  	vm2 =	vgt.s32 v10, $0x0  }
0xad: {  	s8 =	sand.u32 $0xE00, s22;
	s22 =	smov.u32 s7;
	v10 =	vnsel vm2, $0x0, v10  }
.Ltmp4:
0xae: {  	s9 =	sand.u32 $0x10, s30;
	s8 =	sshrl.u32 s8, $0x2;
	v10 =	vmin.u32 v10, $0x3FFF;
	(pc) =	sbr.rel @p0 .LBB2_6-.Ltmp4, $4  }
0xaf: {  	s8 =	sor.u32 s9, s8;
	v11 =	vsel vm1, v12, v7;
	[tilespmem:s31+$0x0] =	vst v10  }
0xb0: {  	s31 =	sadd.s32 $0x10, s31;
	[tilespmem:s8+$0x13800] =	vst v11  }
0xb1: {  	v10 =	vld [tilespmem:s31+$0x0]  }
0xb2: {  	s7 =	sadd.s32 $0x100, s7  }
0xb3: {  	s7 =	sadd.s32 $0x10, s30  }
0xb4: {  	s1 =	sadd.s32 $0x10, s1;
	v11 =	vor.u32 s7, v1  }
0xb5: {  	v12 =	vld [tilespmem:s1+$0x0];
	vm1 =	vlt.s32 v11, v8  }
0xb6: {  	v8 =	vsel vm1, v10, v9  }
0xb7: {  	vm2 =	vgt.s32 v8, $0x0  }
0xb8: {  	s22 =	sand.u32 $0xE00, s22;
	v8 =	vnsel vm2, $0x0, v8  }
0xb9: {  	s7 =	sand.u32 $0x10, s7;
	s1 =	sshrl.u32 s22, $0x2;
	v8 =	vmin.u32 v8, $0x3FFF  }
0xba: {  	s1 =	sor.u32 s7, s1;
	v7 =	vsel vm1, v12, v7;
	[tilespmem:s31+$0x0] =	vst v8  }
0xbb: {  	s30 =	simm.s32 $0x13680;
	[tilespmem:s1+$0x13800] =	vst v7  }
0xbc: {  	[tilespmem:s23], [sflag:$0x6] =	stream.indirect.gather [hbm4b:s2+s21], $0x80, s30, s21, $0xb8;
	[tilespmem:$0x1CC00] =	vst v63  }
0xbd: {  	_ =	swait.ge [sflag:s24], $0x4000  }
0xbe: {  	[sflag:s24] =	ssyncset.done $0x0  }
0xbf: {  	s31 =	rddreg [dreg:$0x6];
	[sflag:s24] =	ssyncadd.s32 $0xFFFFC000  }
0xc0: {  	[hbm4b:s31+s5] =	stream.linear.scatter [tilespmem:s17], [sflag:$0x4], $0x4000, $0x38;
	[tilespmem:$0x1CC00] =	vst v63  }
0xc1: {  	_ =	swait.ge [sflag:s25], $0x4000  }
0xc2: {  	[sflag:s25] =	ssyncset.done $0x0  }
0xc3: {  	[sflag:s25] =	ssyncadd.s32 $0xFFFFC000  }
0xc4: {  	[hbm4b:s10+s5] =	stream.linear.scatter [tilespmem:s18], [sflag:$0x5], $0x4000, $0x38;
	[tilespmem:$0x1CC00] =	vst v63  }
0xc5: {  	_ =	swait.ge [sflag:s26], $0x4000  }
0xc6: {  	[sflag:s26] =	ssyncset.done $0x0  }
0xc7: {  	[sflag:s26] =	ssyncadd.s32 $0xFFFFC000  }
0xc8: {  	_ =	swait.ge [sflag:s28], $0x4000  }
0xc9: {  	[sflag:s28] =	ssyncset.done $0x0  }
0xca: {  	[sflag:s28] =	ssyncadd.s32 $0xFFFFC000  }
0xcb: {  	[tilespmem:s17], [sflag:$0x2] =	stream.linear.gather [hbm4b:s11+s5], $0x4000, $0x38;
	[tilespmem:$0x1CC00] =	vst v63  }
0xcc: {  	_ = 	snop  }
0xcd: {  	[tilespmem:s18], [sflag:$0x3] =	stream.linear.gather [hbm4b:s12+s5], $0x4000, $0x38;
	[tilespmem:$0x1CC00] =	vst v63  }
0xce: {  	_ =	swait.ge [sflag:s24], $0x4000  }
0xcf: {  	[sflag:s24] =	ssyncset.done $0x0  }
0xd0: {  	[sflag:s24] =	ssyncadd.s32 $0xFFFFC000  }
0xd1: {  	[hbm4b:s13+s5] =	stream.linear.scatter [tilespmem:s17], [sflag:$0x4], $0x4000, $0x38;
	[tilespmem:$0x1CC00] =	vst v63  }
0xd2: {  	_ =	swait.ge [sflag:s25], $0x4000  }
0xd3: {  	[sflag:s25] =	ssyncset.done $0x0  }
0xd4: {  	[sflag:s25] =	ssyncadd.s32 $0xFFFFC000  }
0xd5: {  	[hbm4b:s14+s5] =	stream.linear.scatter [tilespmem:s18], [sflag:$0x5], $0x4000, $0x38;
	[tilespmem:$0x1CC00] =	vst v63  }
0xd6: {  	_ =	swait.ge [sflag:s26], $0x4000  }
0xd7: {  	[sflag:s26] =	ssyncset.done $0x0  }
0xd8: {  	[sflag:s26] =	ssyncadd.s32 $0xFFFFC000  }
0xd9: {  	_ =	swait.ge [sflag:s28], $0x4000  }
0xda: {  	[sflag:s28] =	ssyncset.done $0x0  }
0xdb: {  	[sflag:s28] =	ssyncadd.s32 $0xFFFFC000  }
0xdc: {  	_ =	swait.ge [sflag:s29], $0x1000  }
0xdd: {  	p0 =	slt.s32 s4, $0x1;
	[sflag:s29] =	ssyncset.done $0x0  }
0xde: {  	s8 =	simm.s32 @!p0 $0x13C00;
	[sflag:s29] =	ssyncadd.s32 $0xFFFFF000  }
0xdf: {  	s7 =	simm.s32 @!p0 $0x13800;
	s1 =	simm.s32 @!p0 $0x20;
	[bflag:$0x0] =	sbarrier.arrive $0xFFFF  }
0xe0: {  	[hbm4b:s3+s1] =	stream.indirect.scatter @!p0 [tilespmem:s8], [sflag:$0x1], $0x80, s7, s1, $0xb8;
	[tilespmem:$0x1CC00] =	vst v63  }
0xe1: {  	s1 =	simm.s32 @!p0 $0x1  }
0xe2: {  	_ =	swait.ge @!p0 [sflag:s1], $0x1000  }
0xe3: {  	p1 =	slt.u32 @!p0 s4, $0x21;
	[sflag:s1] =	ssyncset.done @!p0 $0x0  }
0xe4: {  	[sflag:s1] =	ssyncadd.s32 @!p0 $0xFFFFF000;
	p0 =	por p0, p1  }
0xe5: {  	s1 =	simm.s32 @!p0 $0x20;
	s7 =	simm.s32 @!p0 $0x136A0;
	s8 =	simm.s32 @!p0 $0x13C00  }
0xe6: {  	[tilespmem:s8], [sflag:$0x1] =	stream.indirect.gather @!p0 [hbm4b:s2+s1], $0x80, s7, s1, $0xb8;
	[tilespmem:$0x1CC00] =	vst v63  }
0xe7: {  	s7 =	simm.s32 @!p0 $0x1  }
0xe8: {  	_ =	swait.ge @!p0 [sflag:s7], $0x1000  }
0xe9: {  	[sflag:s7] =	ssyncset.done @!p0 $0x0  }
0xea: {  	s9 =	simm.s32 @!p0 $0x13880;
	[sflag:s7] =	ssyncadd.s32 @!p0 $0xFFFFF000  }
0xeb: {  	[hbm4b:s3+s1] =	stream.indirect.scatter @!p0 [tilespmem:s8], [sflag:$0x1], $0x80, s9, s1, $0xb8;
	[tilespmem:$0x1CC00] =	vst v63  }
0xec: {  	_ =	swait.ge @!p0 [sflag:s7], $0x1000  }
0xed: {  	p1 =	slt.u32 @!p0 s4, $0x41;
	[sflag:s7] =	ssyncset.done @!p0 $0x0  }
0xee: {  	[sflag:s7] =	ssyncadd.s32 @!p0 $0xFFFFF000;
	p0 =	por p0, p1  }
0xef: {  	s1 =	simm.s32 @!p0 $0x20;
	s7 =	simm.s32 @!p0 $0x136C0;
	s8 =	simm.s32 @!p0 $0x13C00  }
0xf0: {  	[tilespmem:s8], [sflag:$0x1] =	stream.indirect.gather @!p0 [hbm4b:s2+s1], $0x80, s7, s1, $0xb8;
	[tilespmem:$0x1CC00] =	vst v63  }
0xf1: {  	s7 =	simm.s32 @!p0 $0x1  }
0xf2: {  	_ =	swait.ge @!p0 [sflag:s7], $0x1000  }
0xf3: {  	[sflag:s7] =	ssyncset.done @!p0 $0x0  }
0xf4: {  	s9 =	simm.s32 @!p0 $0x13900;
	[sflag:s7] =	ssyncadd.s32 @!p0 $0xFFFFF000  }
0xf5: {  	[hbm4b:s3+s1] =	stream.indirect.scatter @!p0 [tilespmem:s8], [sflag:$0x1], $0x80, s9, s1, $0xb8;
	[tilespmem:$0x1CC00] =	vst v63  }
0xf6: {  	_ =	swait.ge @!p0 [sflag:s7], $0x1000  }
0xf7: {  	p1 =	slt.u32 @!p0 s4, $0x61;
	[sflag:s7] =	ssyncset.done @!p0 $0x0  }
0xf8: {  	[sflag:s7] =	ssyncadd.s32 @!p0 $0xFFFFF000;
	p0 =	por p0, p1  }
0xf9: {  	s1 =	simm.s32 @!p0 $0x20;
	s7 =	simm.s32 @!p0 $0x136E0;
	s8 =	simm.s32 @!p0 $0x13C00  }
0xfa: {  	[tilespmem:s8], [sflag:$0x1] =	stream.indirect.gather @!p0 [hbm4b:s2+s1], $0x80, s7, s1, $0xb8;
	[tilespmem:$0x1CC00] =	vst v63  }
0xfb: {  	s7 =	simm.s32 @!p0 $0x1  }
0xfc: {  	p1 =	slt.u32 @!p0 s4, $0x81;
	_ =	swait.ge @!p0 [sflag:s7], $0x1000  }
0xfd: {  	p1 =	por p0, p1;
	[sflag:s7] =	ssyncset.done @!p0 $0x0  }
.Ltmp5:
0xfe: {  	s9 =	simm.s32 @!p0 $0x13980;
	[sflag:s7] =	ssyncadd.s32 @!p0 $0xFFFFF000;
	(pc) =	sbr.rel @p1 .LBB2_9-.Ltmp5, $4  }
0xff: {  	[hbm4b:s3+s1] =	stream.indirect.scatter @!p0 [tilespmem:s8], [sflag:$0x1], $0x80, s9, s1, $0xb8;
	[tilespmem:$0x1CC00] =	vst v63  }
0x100: {  	_ =	swait.ge @!p0 [sflag:s7], $0x1000  }
0x101: {  	[sflag:s7] =	ssyncset.done @!p0 $0x0  }
0x102: {  	[sflag:s7] =	ssyncadd.s32 @!p0 $0xFFFFF000  }
0x103: {  	s1 =	simm.s32 $0x13700  }
0x104: {  	[tilespmem:s23], [sflag:$0x1] =	stream.indirect.gather [hbm4b:s2+s21], $0x80, s1, s21, $0xb8;
	[tilespmem:$0x1CC00] =	vst v63  }
0x105: {  	_ =	swait.ge [sflag:s19], $0x1000  }
0x106: {  	[sflag:s19] =	ssyncset.done $0x0  }
0x107: {  	s31 =	simm.s32 $0x13A00;
	[sflag:s19] =	ssyncadd.s32 $0xFFFFF000  }
0x108: {  	[hbm4b:s3+s21] =	stream.indirect.scatter [tilespmem:s23], [sflag:$0x1], $0x80, s31, s21, $0xb8;
	[tilespmem:$0x1CC00] =	vst v63  }
0x109: {  	p0 =	slt.u32 s4, $0xA1;
	_ =	swait.ge [sflag:s19], $0x1000  }
0x10a: {  	s1 =	simm.s32 @!p0 $0x20;
	[sflag:s19] =	ssyncset.done $0x0  }
0x10b: {  	s7 =	simm.s32 @!p0 $0x13720;
	s8 =	simm.s32 @!p0 $0x13C00;
	[sflag:s19] =	ssyncadd.s32 $0xFFFFF000  }
0x10c: {  	[tilespmem:s8], [sflag:$0x1] =	stream.indirect.gather @!p0 [hbm4b:s2+s1], $0x80, s7, s1, $0xb8;
	[tilespmem:$0x1CC00] =	vst v63  }
0x10d: {  	s7 =	simm.s32 @!p0 $0x1  }
0x10e: {  	_ =	swait.ge @!p0 [sflag:s7], $0x1000  }
0x10f: {  	[sflag:s7] =	ssyncset.done @!p0 $0x0  }
0x110: {  	s9 =	simm.s32 @!p0 $0x13A80;
	p1 =	slt.u32 @!p0 s4, $0xC1;
	[sflag:s7] =	ssyncadd.s32 @!p0 $0xFFFFF000  }
0x111: {  	[hbm4b:s3+s1] =	stream.indirect.scatter @!p0 [tilespmem:s8], [sflag:$0x1], $0x80, s9, s1, $0xb8;
	[tilespmem:$0x1CC00] =	vst v63  }
0x112: {  	p2 =	por p1, p0;
	_ =	swait.ge @!p0 [sflag:s7], $0x1000  }
0x113: {  	s1 =	simm.s32 @!p2 $0x20;
	[sflag:s7] =	ssyncset.done @!p0 $0x0  }
0x114: {  	s8 =	simm.s32 @!p2 $0x13C00;
	[sflag:s7] =	ssyncadd.s32 @!p0 $0xFFFFF000;
	s7 =	simm.s32 @!p2 $0x13740  }
0x115: {  	[tilespmem:s8], [sflag:$0x1] =	stream.indirect.gather @!p2 [hbm4b:s2+s1], $0x80, s7, s1, $0xb8;
	[tilespmem:$0x1CC00] =	vst v63  }
0x116: {  	s7 =	simm.s32 @!p2 $0x1  }
0x117: {  	_ =	swait.ge @!p2 [sflag:s7], $0x1000  }
0x118: {  	p3 =	slt.u32 @!p2 s4, $0xE1;
	[sflag:s7] =	ssyncset.done @!p2 $0x0  }
0x119: {  	p1 =	por @!p0 p3, p1;
	s9 =	simm.s32 @!p2 $0x13B00;
	[sflag:s7] =	ssyncadd.s32 @!p2 $0xFFFFF000  }
0x11a: {  	[hbm4b:s3+s1] =	stream.indirect.scatter @!p2 [tilespmem:s8], [sflag:$0x1], $0x80, s9, s1, $0xb8;
	[tilespmem:$0x1CC00] =	vst v63  }
0x11b: {  	p0 =	por p1, p0;
	_ =	swait.ge @!p2 [sflag:s7], $0x1000  }
0x11c: {  	s4 =	simm.s32 @!p0 $0x13760;
	[sflag:s7] =	ssyncset.done @!p2 $0x0  }
0x11d: {  	s1 =	simm.s32 @!p0 $0x20;
	[sflag:s7] =	ssyncadd.s32 @!p2 $0xFFFFF000;
	s7 =	simm.s32 @!p0 $0x13C00  }
0x11e: {  	[tilespmem:s7], [sflag:$0x1] =	stream.indirect.gather @!p0 [hbm4b:s2+s1], $0x80, s4, s1, $0xb8;
	[tilespmem:$0x1CC00] =	vst v63  }
0x11f: {  	s4 =	simm.s32 @!p0 $0x1  }
0x120: {  	_ =	swait.ge @!p0 [sflag:s4], $0x1000  }
0x121: {  	[sflag:s4] =	ssyncset.done @!p0 $0x0  }
.Ltmp6:
0x122: {  	s8 =	simm.s32 @!p0 $0x13B80;
	[sflag:s4] =	ssyncadd.s32 @!p0 $0xFFFFF000;
	(pc) =	sbr.rel .LBB2_9-.Ltmp6, $4  }
0x123: {  	[hbm4b:s3+s1] =	stream.indirect.scatter @!p0 [tilespmem:s7], [sflag:$0x1], $0x80, s8, s1, $0xb8;
	[tilespmem:$0x1CC00] =	vst v63  }
0x124: {  	_ =	swait.ge @!p0 [sflag:s4], $0x1000  }
0x125: {  	[sflag:s4] =	ssyncset.done @!p0 $0x0  }
0x126: {  	[sflag:s4] =	ssyncadd.s32 @!p0 $0xFFFFF000  }
.LBB2_10:
0x127: {  	_ =	sfence.sel $0x180000  }
0x128: {  	[bflag:$0x0] =	sbarrier.arrive $0xFFFF  }
0x129: {  	_ =	strace $0x90000047  }
0x12a: {  	s0 =	stileid.u32;
	[bflag:$0x2] =	sbarrier.arrive $0xFFFF  }
0x12b: {  	p0 =	sne.s32 s0, $0x0;
	s0 =	rddreg [dreg:$0x3]  }
0x12c: {  	s0 =	sadd.s32 @!p0 $0x100000, s0  }
0x12d: {  	[sflag:s0] =	ssyncadd.tile.s32 @!p0 $0x1;
	_ =	shalt  }
.Lfunc_end2:
_tile_overlayer_lowered:
.L_overlay_start_2:
0x12e: {  	(tag) =	ssettag $0x2  }
0x12f: {  	s0 =	rddreg [dreg:$0x0];
	s2 =	stileid.u32  }
0x130: {  	s1 =	rddreg [dreg:$0x1];
	p0 =	sne.s32 s2, $0x0  }
0x131: {  	s3 =	rddreg [dreg:$0x2];
	[bflag:$0x3] =	sbarrier.arrive $0xFFFF;
	s2 =	simm.s32 @!p0 $0x1C07  }
0x132: {  	[timem:s3], [sflag:s2] =	dma.local @!p0 [hbm:s0], s1  }
0x133: {  	s0 =	simm.s32 @!p0 $0x7  }
0x134: {  	_ =	swait.ge @!p0 [sflag:s0], s1  }
0x135: {  	s1 =	ssub.s32 @!p0 $0x0, s1;
	[sflag:s0] =	ssyncset.done @!p0 $0x0  }
0x136: {  	[sflag:s0] =	ssyncadd.s32 @!p0 s1  }
0x137: {  	[bflag:$0x3] =	sbarrier.arrive $0xFFFF  }
0x138: {  	_ =	shalt  }

</sc_bundles>
